<compile_context>
chip_gen: v7x
topology: tpu7x:2x2x1
jax: 0.10.2.dev20260603
libtpu: 0.0.44.dev20260713+nightly
codegen_flags: <defaults>
</compile_context>

<pallas_src>
import jax
import jax.numpy as jnp
from jax.experimental import pallas as pl
from jax.experimental.pallas import tpu as pltpu

_SEQ = 20
_N = 256
_RNN = 128
_G = 4
_G2 = _G * _G
_EMB = 64
_INP = 2
_OUT = 5


def _body(gt_ref, xy_ref, idr_ref, idc_ref, pc_ref, h0_ref, c0_ref, win_ref,
          bin_ref, wt_ref, bt_ref, wih_ref, bih_ref, whh_ref, bhh_ref,
          wout_ref, bout_ref, out_ref, h_ref, c_ref):
    t = pl.program_id(0)

    @pl.when(t == 0)
    def _init():
        h_ref[...] = h0_ref[...]
        c_ref[...] = c0_ref[...]

    idx_row = idr_ref[0]
    idx_col = idc_ref[0]
    p_col = pc_ref[0]
    iota0 = jax.lax.broadcasted_iota(jnp.int32, (_N, _N), 0)
    iota1 = jax.lax.broadcasted_iota(jnp.int32, (_N, _N), 1)
    qp_mat = (p_col == iota1).astype(jnp.float32)
    qx_mat = (idx_col == iota1).astype(jnp.float32)
    qt_mat = (iota0 == idx_row).astype(jnp.float32)

    hi = jax.lax.Precision.HIGHEST
    h_cur = jnp.dot(qp_mat, h_ref[...])
    c_cur = jnp.dot(qp_mat, c_ref[...], precision=hi)
    x_cur = jnp.dot(qx_mat, xy_ref[0])

    s2 = jnp.dot(gt_ref[0].astype(jnp.float32), h_cur)
    social = jnp.concatenate(
        [s2[g * _N:(g + 1) * _N] for g in range(_G2)], axis=1)

    inp_emb = jax.nn.relu(jnp.dot(x_cur, win_ref[...]) + bin_ref[...])
    ten_emb = jax.nn.relu(jnp.dot(social, wt_ref[...]) + bt_ref[...])
    concat = jnp.concatenate([inp_emb, ten_emb], axis=1)

    gates = (jnp.dot(concat, wih_ref[...]) + bih_ref[...]
             + jnp.dot(h_cur, whh_ref[...]) + bhh_ref[...])
    gi = jax.nn.sigmoid(gates[:, :_RNN])
    gf = jax.nn.sigmoid(gates[:, _RNN:2 * _RNN])
    gg = jnp.tanh(gates[:, 2 * _RNN:3 * _RNN])
    go = jax.nn.sigmoid(gates[:, 3 * _RNN:])
    c_new = gf * c_cur + gi * gg
    h_new = go * jnp.tanh(c_new)
    out_t = jnp.dot(h_new, wout_ref[...]) + bout_ref[...]

    out_ref[0] = jnp.dot(qt_mat, out_t, precision=hi)

    @pl.when(t < _SEQ - 1)
    def _carry():
        h_ref[...] = h_new
        c_ref[...] = c_new

    @pl.when(t == _SEQ - 1)
    def _final():
        h_ref[...] = jnp.dot(qt_mat, h_new, precision=hi)
        c_ref[...] = jnp.dot(qt_mat, c_new, precision=hi)


def kernel(pedxy, hidden_states, cell_states, outputs, grids, node_ids,
           W_in, b_in, W_t, b_t, W_ih, b_ih, W_hh, b_hh, W_out, b_out):
    del outputs

    gt = grids.astype(jnp.bfloat16).transpose(0, 3, 1, 2).reshape(
        _SEQ, _G2 * _N, _N)
    idr = node_ids.reshape(_SEQ, 1, _N)
    idc = node_ids.reshape(_SEQ, _N, 1)
    inv = jnp.argsort(node_ids, axis=1).astype(jnp.int32)
    p = jnp.concatenate(
        [node_ids[:1], jnp.take_along_axis(inv[:-1], node_ids[1:], axis=1)],
        axis=0)
    pc = p.reshape(_SEQ, _N, 1)

    full = lambda shape: pl.BlockSpec(shape, lambda t: (0,) * len(shape))
    per_t = lambda shape: pl.BlockSpec(shape, lambda t: (t,) + (0,) * (len(shape) - 1))

    outputs_r, h_out, c_out = pl.pallas_call(
        _body,
        grid=(_SEQ,),
        in_specs=[
            per_t((1, _G2 * _N, _N)),
            per_t((1, _N, _INP)),
            per_t((1, 1, _N)),
            per_t((1, _N, 1)),
            per_t((1, _N, 1)),
            full((_N, _RNN)),
            full((_N, _RNN)),
            full((_INP, _EMB)),
            full((1, _EMB)),
            full((_G2 * _RNN, _EMB)),
            full((1, _EMB)),
            full((2 * _EMB, 4 * _RNN)),
            full((1, 4 * _RNN)),
            full((_RNN, 4 * _RNN)),
            full((1, 4 * _RNN)),
            full((_RNN, _OUT)),
            full((1, _OUT)),
        ],
        out_specs=(
            per_t((1, _N, _OUT)),
            full((_N, _RNN)),
            full((_N, _RNN)),
        ),
        out_shape=(
            jax.ShapeDtypeStruct((_SEQ, _N, _OUT), jnp.float32),
            jax.ShapeDtypeStruct((_N, _RNN), jnp.float32),
            jax.ShapeDtypeStruct((_N, _RNN), jnp.float32),
        ),
        compiler_params=pltpu.CompilerParams(
            dimension_semantics=("arbitrary",)),
    )(gt, pedxy, idr, idc, pc, hidden_states, cell_states,
      W_in, b_in.reshape(1, _EMB), W_t, b_t.reshape(1, _EMB),
      W_ih.T, b_ih.reshape(1, 4 * _RNN), W_hh.T, b_hh.reshape(1, 4 * _RNN),
      W_out.T, b_out.reshape(1, _OUT))

    return outputs_r, h_out, c_out

# --- scband reference (transcript-rebuilt; emitter-appended) ---
"""Pipeline reference for scband-social-model-30210799960620 (READ-ONLY COPY).

The authoritative reference and input builder live on the scoring server;
editing this copy changes nothing except your own understanding.
"""

import jax, jax.numpy as jnp
import numpy as np

SEQ = 20
N = 256
RNN = 128
G = 4
G2 = G * G
EMB = 64
INP = 2
OUT = 5


def setup_inputs(seed: int = 0):
    key = jax.random.key(seed)
    ks = jax.random.split(key, 20)
    inp = {}
    inp["pedxy"] = jax.random.normal(ks[0], (SEQ, N, INP), dtype=jnp.float32)
    inp["hidden_states"] = 0.1 * jax.random.normal(ks[1], (N, RNN), dtype=jnp.float32)
    inp["cell_states"] = 0.1 * jax.random.normal(ks[2], (N, RNN), dtype=jnp.float32)
    inp["outputs"] = jnp.zeros((SEQ * N, OUT), dtype=jnp.float32)
    inp["grids"] = jax.random.uniform(ks[3], (SEQ, N, N, G2), dtype=jnp.float32)
    node_ids = jnp.stack([jax.random.permutation(jax.random.fold_in(ks[4], t), N) for t in range(SEQ)])
    inp["node_ids"] = node_ids.astype(jnp.int32)
    s = 0.05
    inp["W_in"] = s * jax.random.normal(ks[5], (INP, EMB), dtype=jnp.float32)
    inp["b_in"] = jnp.zeros((EMB,), dtype=jnp.float32)
    inp["W_t"] = s * jax.random.normal(ks[6], (G2 * RNN, EMB), dtype=jnp.float32)
    inp["b_t"] = jnp.zeros((EMB,), dtype=jnp.float32)
    inp["W_ih"] = s * jax.random.normal(ks[7], (4 * RNN, 2 * EMB), dtype=jnp.float32)
    inp["b_ih"] = jnp.zeros((4 * RNN,), dtype=jnp.float32)
    inp["W_hh"] = s * jax.random.normal(ks[8], (4 * RNN, RNN), dtype=jnp.float32)
    inp["b_hh"] = jnp.zeros((4 * RNN,), dtype=jnp.float32)
    inp["W_out"] = s * jax.random.normal(ks[9], (OUT, RNN), dtype=jnp.float32)
    inp["b_out"] = jnp.zeros((OUT,), dtype=jnp.float32)
    return inp


def reference(pedxy, hidden_states, cell_states, outputs, grids, node_ids, W_in, b_in, W_t, b_t, W_ih, b_ih, W_hh, b_hh, W_out, b_out):
    # Social-LSTM step loop: per frame, gather states of present peds,
    # social pooling (grid^T @ hidden), embed, LSTMCell, scatter back.
    for t in range(SEQ):
        idx = node_ids[t]
        nodes_current = pedxy[t][idx]
        h_cur = jnp.take(hidden_states, idx, axis=0)
        c_cur = jnp.take(cell_states, idx, axis=0)
        # getSocialTensor: social[n] = grid[n].T @ h_cur -> [G2, RNN]
        social = jnp.einsum('nqg,qr->ngr', grids[t], h_cur).reshape(N, G2 * RNN)
        inp_emb = jax.nn.relu(nodes_current @ W_in + b_in)  # dropout = identity (eval)
        ten_emb = jax.nn.relu(social @ W_t + b_t)
        concat = jnp.concatenate([inp_emb, ten_emb], axis=1)
        # torch.nn.LSTMCell gate order: i, f, g, o
        gates = concat @ W_ih.T + b_ih + h_cur @ W_hh.T + b_hh
        i, f, g, o = jnp.split(gates, 4, axis=1)
        i = jax.nn.sigmoid(i)
        f = jax.nn.sigmoid(f)
        g = jnp.tanh(g)
        o = jax.nn.sigmoid(o)
        c_new = f * c_cur + i * g
        h_new = o * jnp.tanh(c_new)
        out_t = h_new @ W_out.T + b_out
        outputs = outputs.at[t * N + idx].set(out_t)
        hidden_states = hidden_states.at[idx].set(h_new)
        cell_states = cell_states.at[idx].set(c_new)
    outputs_return = outputs.reshape(SEQ, N, OUT)
    return outputs_return, hidden_states, cell_states

if __name__ == "__main__":
    import jax
    _d = setup_inputs()
    print(jax.jit(kernel)(*tuple(_d.values())))

</pallas_src>

<mosaic_0001>
module attributes {stable_mosaic.version = 14 : i64} {
  func.func @_body(%arg0: i32, %arg1: memref<1x4096x256xbf16, #tpu.memory_space<vmem>>, %arg2: memref<1x256x2xf32, #tpu.memory_space<vmem>>, %arg3: memref<1x1x256xi32, #tpu.memory_space<vmem>>, %arg4: memref<1x256x1xi32, #tpu.memory_space<vmem>>, %arg5: memref<1x256x1xi32, #tpu.memory_space<vmem>>, %arg6: memref<256x128xf32, #tpu.memory_space<vmem>>, %arg7: memref<256x128xf32, #tpu.memory_space<vmem>>, %arg8: memref<2x64xf32, #tpu.memory_space<vmem>>, %arg9: memref<1x64xf32, #tpu.memory_space<vmem>>, %arg10: memref<2048x64xf32, #tpu.memory_space<vmem>>, %arg11: memref<1x64xf32, #tpu.memory_space<vmem>>, %arg12: memref<128x512xf32, #tpu.memory_space<vmem>>, %arg13: memref<1x512xf32, #tpu.memory_space<vmem>>, %arg14: memref<128x512xf32, #tpu.memory_space<vmem>>, %arg15: memref<1x512xf32, #tpu.memory_space<vmem>>, %arg16: memref<128x5xf32, #tpu.memory_space<vmem>>, %arg17: memref<1x5xf32, #tpu.memory_space<vmem>>, %arg18: memref<1x256x5xf32, #tpu.memory_space<vmem>>, %arg19: memref<256x128xf32, #tpu.memory_space<vmem>>, %arg20: memref<256x128xf32, #tpu.memory_space<vmem>>) attributes {dimension_semantics = [#tpu.dimension_semantics<arbitrary>], iteration_bounds = array<i64: 20>, scalar_prefetch = 0 : i64, scratch_operands = 0 : i64, tpu.core_type = #tpu.core_type<tc>, window_params = [{transform_indices = @transform_0, window_bounds = array<i64: 1, 4096, 256>}, {transform_indices = @transform_1, window_bounds = array<i64: 1, 256, 2>}, {transform_indices = @transform_2, window_bounds = array<i64: 1, 1, 256>}, {transform_indices = @transform_3, window_bounds = array<i64: 1, 256, 1>}, {transform_indices = @transform_4, window_bounds = array<i64: 1, 256, 1>}, {pipeline_mode = #tpu.pipeline_mode<synchronous>, transform_indices = @transform_5, window_bounds = array<i64: 256, 128>}, {pipeline_mode = #tpu.pipeline_mode<synchronous>, transform_indices = @transform_6, window_bounds = array<i64: 256, 128>}, {pipeline_mode = #tpu.pipeline_mode<synchronous>, transform_indices = @transform_7, window_bounds = array<i64: 2, 64>}, {pipeline_mode = #tpu.pipeline_mode<synchronous>, transform_indices = @transform_8, window_bounds = array<i64: 1, 64>}, {pipeline_mode = #tpu.pipeline_mode<synchronous>, transform_indices = @transform_9, window_bounds = array<i64: 2048, 64>}, {pipeline_mode = #tpu.pipeline_mode<synchronous>, transform_indices = @transform_10, window_bounds = array<i64: 1, 64>}, {pipeline_mode = #tpu.pipeline_mode<synchronous>, transform_indices = @transform_11, window_bounds = array<i64: 128, 512>}, {pipeline_mode = #tpu.pipeline_mode<synchronous>, transform_indices = @transform_12, window_bounds = array<i64: 1, 512>}, {pipeline_mode = #tpu.pipeline_mode<synchronous>, transform_indices = @transform_13, window_bounds = array<i64: 128, 512>}, {pipeline_mode = #tpu.pipeline_mode<synchronous>, transform_indices = @transform_14, window_bounds = array<i64: 1, 512>}, {pipeline_mode = #tpu.pipeline_mode<synchronous>, transform_indices = @transform_15, window_bounds = array<i64: 128, 5>}, {pipeline_mode = #tpu.pipeline_mode<synchronous>, transform_indices = @transform_16, window_bounds = array<i64: 1, 5>}, {transform_indices = @transform_17, window_bounds = array<i64: 1, 256, 5>}, {pipeline_mode = #tpu.pipeline_mode<synchronous>, transform_indices = @transform_18, window_bounds = array<i64: 256, 128>}, {pipeline_mode = #tpu.pipeline_mode<synchronous>, transform_indices = @transform_19, window_bounds = array<i64: 256, 128>}]} {
    %eq3A = arith.constant 0 : i32
    %eq3A_0 = arith.cmpi eq, %arg0, %eq3A : i32
    %convert_element_type3A = arith.extui %eq3A_0 : i1 to i32
    %cond3A = arith.constant 0 : i32
    %cond3A_1 = arith.cmpi ne, %convert_element_type3A, %cond3A : i32
    scf.if %cond3A_1 {
      %get3A_165 = arith.constant 0 : index
      %get3A_166 = arith.constant 0 : index
      %get3A_167 = vector.load %arg6[%get3A_165, %get3A_166] : memref<256x128xf32, #tpu.memory_space<vmem>>, vector<256x128xf32>
      %swap3A_168 = arith.constant 0 : index
      %swap3A_169 = arith.constant 0 : index
      %swap3A_170 = vector.load %arg19[%swap3A_168, %swap3A_169] : memref<256x128xf32, #tpu.memory_space<vmem>>, vector<256x128xf32>
      tpu.vector_store %arg19[%swap3A_168, %swap3A_169], %get3A_167 {strides = array<i32>} : memref<256x128xf32, #tpu.memory_space<vmem>>, vector<256x128xf32>,
      %get3A_171 = arith.constant 0 : index
      %get3A_172 = arith.constant 0 : index
      %get3A_173 = vector.load %arg7[%get3A_171, %get3A_172] : memref<256x128xf32, #tpu.memory_space<vmem>>, vector<256x128xf32>
      %swap3A_174 = arith.constant 0 : index
      %swap3A_175 = arith.constant 0 : index
      %swap3A_176 = vector.load %arg20[%swap3A_174, %swap3A_175] : memref<256x128xf32, #tpu.memory_space<vmem>>, vector<256x128xf32>
      tpu.vector_store %arg20[%swap3A_174, %swap3A_175], %get3A_173 {strides = array<i32>} : memref<256x128xf32, #tpu.memory_space<vmem>>, vector<256x128xf32>,
    } else {
    }
    %get3A = arith.constant 0 : index
    %get3A_2 = arith.constant 0 : index
    %get3A_3 = arith.constant 0 : index
    %get3A_4 = vector.load %arg3[%get3A, %get3A_2, %get3A_3] : memref<1x1x256xi32, #tpu.memory_space<vmem>>, vector<1x1x256xi32>
    %get3A_5 = vector.shape_cast %get3A_4 : vector<1x1x256xi32> to vector<1x256xi32>
    %get3A_6 = arith.constant 0 : index
    %get3A_7 = arith.constant 0 : index
    %get3A_8 = arith.constant 0 : index
    %get3A_9 = vector.load %arg4[%get3A_6, %get3A_7, %get3A_8] : memref<1x256x1xi32, #tpu.memory_space<vmem>>, vector<1x256x1xi32>
    %get3A_10 = vector.shape_cast %get3A_9 : vector<1x256x1xi32> to vector<256x1xi32>
    %get3A_11 = arith.constant 0 : index
    %get3A_12 = arith.constant 0 : index
    %get3A_13 = arith.constant 0 : index
    %get3A_14 = vector.load %arg5[%get3A_11, %get3A_12, %get3A_13] : memref<1x256x1xi32, #tpu.memory_space<vmem>>, vector<1x256x1xi32>
    %get3A_15 = vector.shape_cast %get3A_14 : vector<1x256x1xi32> to vector<256x1xi32>
    %iota3A = tpu.iota {dimensions = array<i32: 0>} : vector<256x256xi32>
    %iota3A_16 = tpu.iota {dimensions = array<i32: 1>} : vector<256x256xi32>
    %eq3A_17 = vector.broadcast %get3A_15 : vector<256x1xi32> to vector<256x256xi32>
    %eq3A_18 = arith.cmpi eq, %eq3A_17, %iota3A_16 : vector<256x256xi32>
    %convert_element_type3A_19 = arith.extui %eq3A_18 : vector<256x256xi1> to vector<256x256xi32>
    %convert_element_type3A_20 = arith.sitofp %convert_element_type3A_19 : vector<256x256xi32> to vector<256x256xf32>
    %eq3A_21 = vector.broadcast %get3A_10 : vector<256x1xi32> to vector<256x256xi32>
    %eq3A_22 = arith.cmpi eq, %eq3A_21, %iota3A_16 : vector<256x256xi32>
    %convert_element_type3A_23 = arith.extui %eq3A_22 : vector<256x256xi1> to vector<256x256xi32>
    %convert_element_type3A_24 = arith.sitofp %convert_element_type3A_23 : vector<256x256xi32> to vector<256x256xf32>
    %eq3A_25 = vector.broadcast %get3A_5 : vector<1x256xi32> to vector<256x256xi32>
    %eq3A_26 = arith.cmpi eq, %iota3A, %eq3A_25 : vector<256x256xi32>
    %convert_element_type3A_27 = arith.extui %eq3A_26 : vector<256x256xi1> to vector<256x256xi32>
    %convert_element_type3A_28 = arith.sitofp %convert_element_type3A_27 : vector<256x256xi32> to vector<256x256xf32>
    %get3A_29 = arith.constant 0 : index
    %get3A_30 = arith.constant 0 : index
    %get3A_31 = vector.load %arg19[%get3A_29, %get3A_30] : memref<256x128xf32, #tpu.memory_space<vmem>>, vector<256x128xf32>
    %dot_general3A = arith.constant dense<0.000000e+00> : vector<256x128xf32>
    %dot_general3A_32 = tpu.matmul %convert_element_type3A_20, %get3A_31, %dot_general3A {dimension_numbers = #tpu.dot_dimension_numbers<[1], [0], [0], [1], [0, 0, 1, 1], [], []>, transpose_lhs_hint = false} : vector<256x256xf32>, vector<256x128xf32>, vector<256x128xf32> -> vector<256x128xf32>
    %get3A_33 = arith.constant 0 : index
    %get3A_34 = arith.constant 0 : index
    %get3A_35 = vector.load %arg20[%get3A_33, %get3A_34] : memref<256x128xf32, #tpu.memory_space<vmem>>, vector<256x128xf32>
    %dot_general3A_36 = arith.constant dense<0.000000e+00> : vector<256x128xf32>
    %dot_general3A_37 = tpu.matmul %convert_element_type3A_20, %get3A_35, %dot_general3A_36 {dimension_numbers = #tpu.dot_dimension_numbers<[1], [0], [0], [1], [0, 0, 1, 1], [], []>, precision = #tpu.contract_precision<fp32>, transpose_lhs_hint = false} : vector<256x256xf32>, vector<256x128xf32>, vector<256x128xf32> -> vector<256x128xf32>
    %get3A_38 = arith.constant 0 : index
    %get3A_39 = arith.constant 0 : index
    %get3A_40 = arith.constant 0 : index
    %get3A_41 = vector.load %arg2[%get3A_38, %get3A_39, %get3A_40] : memref<1x256x2xf32, #tpu.memory_space<vmem>>, vector<1x256x2xf32>
    %get3A_42 = vector.shape_cast %get3A_41 : vector<1x256x2xf32> to vector<256x2xf32>
    %dot_general3A_43 = arith.constant dense<0.000000e+00> : vector<256x2xf32>
    %dot_general3A_44 = tpu.matmul %convert_element_type3A_24, %get3A_42, %dot_general3A_43 {dimension_numbers = #tpu.dot_dimension_numbers<[1], [0], [0], [1], [0, 0, 1, 1], [], []>, transpose_lhs_hint = false} : vector<256x256xf32>, vector<256x2xf32>, vector<256x2xf32> -> vector<256x2xf32>
    %get3A_45 = arith.constant 0 : index
    %get3A_46 = arith.constant 0 : index
    %get3A_47 = arith.constant 0 : index
    %get3A_48 = vector.load %arg1[%get3A_45, %get3A_46, %get3A_47] : memref<1x4096x256xbf16, #tpu.memory_space<vmem>>, vector<1x4096x256xbf16>
    %get3A_49 = vector.shape_cast %get3A_48 : vector<1x4096x256xbf16> to vector<4096x256xbf16>
    %convert_element_type3A_50 = arith.extf %get3A_49 : vector<4096x256xbf16> to vector<4096x256xf32>
    %dot_general3A_51 = arith.constant dense<0.000000e+00> : vector<4096x128xf32>
    %dot_general3A_52 = tpu.matmul %convert_element_type3A_50, %dot_general3A_32, %dot_general3A_51 {dimension_numbers = #tpu.dot_dimension_numbers<[1], [0], [0], [1], [0, 0, 1, 1], [], []>, transpose_lhs_hint = false} : vector<4096x256xf32>, vector<256x128xf32>, vector<4096x128xf32> -> vector<4096x128xf32>
    %slice3A = vector.extract_strided_slice %dot_general3A_52 {offsets = [0, 0], sizes = [256, 128], strides = [1, 1]} : vector<4096x128xf32> to vector<256x128xf32>
    %slice3A_53 = vector.extract_strided_slice %dot_general3A_52 {offsets = [256, 0], sizes = [256, 128], strides = [1, 1]} : vector<4096x128xf32> to vector<256x128xf32>
    %slice3A_54 = vector.extract_strided_slice %dot_general3A_52 {offsets = [512, 0], sizes = [256, 128], strides = [1, 1]} : vector<4096x128xf32> to vector<256x128xf32>
    %slice3A_55 = vector.extract_strided_slice %dot_general3A_52 {offsets = [768, 0], sizes = [256, 128], strides = [1, 1]} : vector<4096x128xf32> to vector<256x128xf32>
    %slice3A_56 = vector.extract_strided_slice %dot_general3A_52 {offsets = [1024, 0], sizes = [256, 128], strides = [1, 1]} : vector<4096x128xf32> to vector<256x128xf32>
    %slice3A_57 = vector.extract_strided_slice %dot_general3A_52 {offsets = [1280, 0], sizes = [256, 128], strides = [1, 1]} : vector<4096x128xf32> to vector<256x128xf32>
    %slice3A_58 = vector.extract_strided_slice %dot_general3A_52 {offsets = [1536, 0], sizes = [256, 128], strides = [1, 1]} : vector<4096x128xf32> to vector<256x128xf32>
    %slice3A_59 = vector.extract_strided_slice %dot_general3A_52 {offsets = [1792, 0], sizes = [256, 128], strides = [1, 1]} : vector<4096x128xf32> to vector<256x128xf32>
    %slice3A_60 = vector.extract_strided_slice %dot_general3A_52 {offsets = [2048, 0], sizes = [256, 128], strides = [1, 1]} : vector<4096x128xf32> to vector<256x128xf32>
    %slice3A_61 = vector.extract_strided_slice %dot_general3A_52 {offsets = [2304, 0], sizes = [256, 128], strides = [1, 1]} : vector<4096x128xf32> to vector<256x128xf32>
    %slice3A_62 = vector.extract_strided_slice %dot_general3A_52 {offsets = [2560, 0], sizes = [256, 128], strides = [1, 1]} : vector<4096x128xf32> to vector<256x128xf32>
    %slice3A_63 = vector.extract_strided_slice %dot_general3A_52 {offsets = [2816, 0], sizes = [256, 128], strides = [1, 1]} : vector<4096x128xf32> to vector<256x128xf32>
    %slice3A_64 = vector.extract_strided_slice %dot_general3A_52 {offsets = [3072, 0], sizes = [256, 128], strides = [1, 1]} : vector<4096x128xf32> to vector<256x128xf32>
    %slice3A_65 = vector.extract_strided_slice %dot_general3A_52 {offsets = [3328, 0], sizes = [256, 128], strides = [1, 1]} : vector<4096x128xf32> to vector<256x128xf32>
    %slice3A_66 = vector.extract_strided_slice %dot_general3A_52 {offsets = [3584, 0], sizes = [256, 128], strides = [1, 1]} : vector<4096x128xf32> to vector<256x128xf32>
    %slice3A_67 = vector.extract_strided_slice %dot_general3A_52 {offsets = [3840, 0], sizes = [256, 128], strides = [1, 1]} : vector<4096x128xf32> to vector<256x128xf32>
    %concatenate3A = tpu.concatenate %slice3A, %slice3A_53, %slice3A_54, %slice3A_55, %slice3A_56, %slice3A_57, %slice3A_58, %slice3A_59, %slice3A_60, %slice3A_61, %slice3A_62, %slice3A_63, %slice3A_64, %slice3A_65, %slice3A_66, %slice3A_67 in 1 : vector<256x128xf32>, vector<256x128xf32>, vector<256x128xf32>, vector<256x128xf32>, vector<256x128xf32>, vector<256x128xf32>, vector<256x128xf32>, vector<256x128xf32>, vector<256x128xf32>, vector<256x128xf32>, vector<256x128xf32>, vector<256x128xf32>, vector<256x128xf32>, vector<256x128xf32>, vector<256x128xf32>, vector<256x128xf32> -> vector<256x2048xf32>
    %get3A_68 = arith.constant 0 : index
    %get3A_69 = arith.constant 0 : index
    %get3A_70 = vector.load %arg8[%get3A_68, %get3A_69] : memref<2x64xf32, #tpu.memory_space<vmem>>, vector<2x64xf32>
    %dot_general3A_71 = arith.constant dense<0.000000e+00> : vector<256x64xf32>
    %dot_general3A_72 = tpu.matmul %dot_general3A_44, %get3A_70, %dot_general3A_71 {dimension_numbers = #tpu.dot_dimension_numbers<[1], [0], [0], [1], [0, 0, 1, 1], [], []>, transpose_lhs_hint = false} : vector<256x2xf32>, vector<2x64xf32>, vector<256x64xf32> -> vector<256x64xf32>
    %get3A_73 = arith.constant 0 : index
    %get3A_74 = arith.constant 0 : index
    %get3A_75 = vector.load %arg9[%get3A_73, %get3A_74] : memref<1x64xf32, #tpu.memory_space<vmem>>, vector<1x64xf32>
    %add3A = vector.broadcast %get3A_75 : vector<1x64xf32> to vector<256x64xf32>
    %add3A_76 = arith.addf %dot_general3A_72, %add3A : vector<256x64xf32>
    %max3A = arith.constant 0.000000e+00 : f32
    %max3A_77 = vector.broadcast %max3A : f32 to vector<256x64xf32>
    %max3A_78 = arith.maximumf %add3A_76, %max3A_77 : vector<256x64xf32>
    %get3A_79 = arith.constant 0 : index
    %get3A_80 = arith.constant 0 : index
    %get3A_81 = vector.load %arg10[%get3A_79, %get3A_80] : memref<2048x64xf32, #tpu.memory_space<vmem>>, vector<2048x64xf32>
    %dot_general3A_82 = arith.constant dense<0.000000e+00> : vector<256x64xf32>
    %dot_general3A_83 = tpu.matmul %concatenate3A, %get3A_81, %dot_general3A_82 {dimension_numbers = #tpu.dot_dimension_numbers<[1], [0], [0], [1], [0, 0, 1, 1], [], []>, transpose_lhs_hint = false} : vector<256x2048xf32>, vector<2048x64xf32>, vector<256x64xf32> -> vector<256x64xf32>
    %get3A_84 = arith.constant 0 : index
    %get3A_85 = arith.constant 0 : index
    %get3A_86 = vector.load %arg11[%get3A_84, %get3A_85] : memref<1x64xf32, #tpu.memory_space<vmem>>, vector<1x64xf32>
    %add3A_87 = vector.broadcast %get3A_86 : vector<1x64xf32> to vector<256x64xf32>
    %add3A_88 = arith.addf %dot_general3A_83, %add3A_87 : vector<256x64xf32>
    %max3A_89 = arith.constant 0.000000e+00 : f32
    %max3A_90 = vector.broadcast %max3A_89 : f32 to vector<256x64xf32>
    %max3A_91 = arith.maximumf %add3A_88, %max3A_90 : vector<256x64xf32>
    %concatenate3A_92 = tpu.concatenate %max3A_78, %max3A_91 in 1 : vector<256x64xf32>, vector<256x64xf32> -> vector<256x128xf32>
    %get3A_93 = arith.constant 0 : index
    %get3A_94 = arith.constant 0 : index
    %get3A_95 = vector.load %arg12[%get3A_93, %get3A_94] : memref<128x512xf32, #tpu.memory_space<vmem>>, vector<128x512xf32>
    %dot_general3A_96 = arith.constant dense<0.000000e+00> : vector<256x512xf32>
    %dot_general3A_97 = tpu.matmul %concatenate3A_92, %get3A_95, %dot_general3A_96 {dimension_numbers = #tpu.dot_dimension_numbers<[1], [0], [0], [1], [0, 0, 1, 1], [], []>, transpose_lhs_hint = false} : vector<256x128xf32>, vector<128x512xf32>, vector<256x512xf32> -> vector<256x512xf32>
    %get3A_98 = arith.constant 0 : index
    %get3A_99 = arith.constant 0 : index
    %get3A_100 = vector.load %arg13[%get3A_98, %get3A_99] : memref<1x512xf32, #tpu.memory_space<vmem>>, vector<1x512xf32>
    %add3A_101 = vector.broadcast %get3A_100 : vector<1x512xf32> to vector<256x512xf32>
    %add3A_102 = arith.addf %dot_general3A_97, %add3A_101 : vector<256x512xf32>
    %get3A_103 = arith.constant 0 : index
    %get3A_104 = arith.constant 0 : index
    %get3A_105 = vector.load %arg14[%get3A_103, %get3A_104] : memref<128x512xf32, #tpu.memory_space<vmem>>, vector<128x512xf32>
    %dot_general3A_106 = arith.constant dense<0.000000e+00> : vector<256x512xf32>
    %dot_general3A_107 = tpu.matmul %dot_general3A_32, %get3A_105, %dot_general3A_106 {dimension_numbers = #tpu.dot_dimension_numbers<[1], [0], [0], [1], [0, 0, 1, 1], [], []>, transpose_lhs_hint = false} : vector<256x128xf32>, vector<128x512xf32>, vector<256x512xf32> -> vector<256x512xf32>
    %add3A_108 = arith.addf %add3A_102, %dot_general3A_107 : vector<256x512xf32>
    %get3A_109 = arith.constant 0 : index
    %get3A_110 = arith.constant 0 : index
    %get3A_111 = vector.load %arg15[%get3A_109, %get3A_110] : memref<1x512xf32, #tpu.memory_space<vmem>>, vector<1x512xf32>
    %add3A_112 = vector.broadcast %get3A_111 : vector<1x512xf32> to vector<256x512xf32>
    %add3A_113 = arith.addf %add3A_108, %add3A_112 : vector<256x512xf32>
    %slice3A_114 = vector.extract_strided_slice %add3A_113 {offsets = [0, 0], sizes = [256, 128], strides = [1, 1]} : vector<256x512xf32> to vector<256x128xf32>
    %logistic3A = arith.negf %slice3A_114 : vector<256x128xf32>
    %logistic3A_115 = math.exp %logistic3A : vector<256x128xf32>
    %logistic3A_116 = arith.constant 1.000000e+00 : f32
    %logistic3A_117 = vector.broadcast %logistic3A_116 : f32 to vector<256x128xf32>
    %logistic3A_118 = arith.addf %logistic3A_117, %logistic3A_115 : vector<256x128xf32>
    %logistic3A_119 = arith.divf %logistic3A_117, %logistic3A_118 : vector<256x128xf32>
    %slice3A_120 = vector.extract_strided_slice %add3A_113 {offsets = [0, 128], sizes = [256, 128], strides = [1, 1]} : vector<256x512xf32> to vector<256x128xf32>
    %logistic3A_121 = arith.negf %slice3A_120 : vector<256x128xf32>
    %logistic3A_122 = math.exp %logistic3A_121 : vector<256x128xf32>
    %logistic3A_123 = arith.constant 1.000000e+00 : f32
    %logistic3A_124 = vector.broadcast %logistic3A_123 : f32 to vector<256x128xf32>
    %logistic3A_125 = arith.addf %logistic3A_124, %logistic3A_122 : vector<256x128xf32>
    %logistic3A_126 = arith.divf %logistic3A_124, %logistic3A_125 : vector<256x128xf32>
    %slice3A_127 = vector.extract_strided_slice %add3A_113 {offsets = [0, 256], sizes = [256, 128], strides = [1, 1]} : vector<256x512xf32> to vector<256x128xf32>
    %tanh3A = math.tanh %slice3A_127 : vector<256x128xf32>
    %slice3A_128 = vector.extract_strided_slice %add3A_113 {offsets = [0, 384], sizes = [256, 128], strides = [1, 1]} : vector<256x512xf32> to vector<256x128xf32>
    %logistic3A_129 = arith.negf %slice3A_128 : vector<256x128xf32>
    %logistic3A_130 = math.exp %logistic3A_129 : vector<256x128xf32>
    %logistic3A_131 = arith.constant 1.000000e+00 : f32
    %logistic3A_132 = vector.broadcast %logistic3A_131 : f32 to vector<256x128xf32>
    %logistic3A_133 = arith.addf %logistic3A_132, %logistic3A_130 : vector<256x128xf32>
    %logistic3A_134 = arith.divf %logistic3A_132, %logistic3A_133 : vector<256x128xf32>
    %mul3A = arith.mulf %logistic3A_126, %dot_general3A_37 : vector<256x128xf32>
    %mul3A_135 = arith.mulf %logistic3A_119, %tanh3A : vector<256x128xf32>
    %add3A_136 = arith.addf %mul3A, %mul3A_135 : vector<256x128xf32>
    %tanh3A_137 = math.tanh %add3A_136 : vector<256x128xf32>
    %mul3A_138 = arith.mulf %logistic3A_134, %tanh3A_137 : vector<256x128xf32>
    %get3A_139 = arith.constant 0 : index
    %get3A_140 = arith.constant 0 : index
    %get3A_141 = vector.load %arg16[%get3A_139, %get3A_140] : memref<128x5xf32, #tpu.memory_space<vmem>>, vector<128x5xf32>
    %dot_general3A_142 = arith.constant dense<0.000000e+00> : vector<256x5xf32>
    %dot_general3A_143 = tpu.matmul %mul3A_138, %get3A_141, %dot_general3A_142 {dimension_numbers = #tpu.dot_dimension_numbers<[1], [0], [0], [1], [0, 0, 1, 1], [], []>, transpose_lhs_hint = false} : vector<256x128xf32>, vector<128x5xf32>, vector<256x5xf32> -> vector<256x5xf32>
    %get3A_144 = arith.constant 0 : index
    %get3A_145 = arith.constant 0 : index
    %get3A_146 = vector.load %arg17[%get3A_144, %get3A_145] : memref<1x5xf32, #tpu.memory_space<vmem>>, vector<1x5xf32>
    %add3A_147 = vector.broadcast %get3A_146 : vector<1x5xf32> to vector<256x5xf32>
    %add3A_148 = arith.addf %dot_general3A_143, %add3A_147 : vector<256x5xf32>
    %dot_general3A_149 = arith.constant dense<0.000000e+00> : vector<256x5xf32>
    %dot_general3A_150 = tpu.matmul %convert_element_type3A_28, %add3A_148, %dot_general3A_149 {dimension_numbers = #tpu.dot_dimension_numbers<[1], [0], [0], [1], [0, 0, 1, 1], [], []>, precision = #tpu.contract_precision<fp32>, transpose_lhs_hint = false} : vector<256x256xf32>, vector<256x5xf32>, vector<256x5xf32> -> vector<256x5xf32>
    %swap3A = arith.constant 0 : index
    %swap3A_151 = arith.constant 0 : index
    %swap3A_152 = arith.constant 0 : index
    %swap3A_153 = vector.load %arg18[%swap3A, %swap3A_151, %swap3A_152] : memref<1x256x5xf32, #tpu.memory_space<vmem>>, vector<1x256x5xf32>
    %swap3A_154 = vector.shape_cast %swap3A_153 : vector<1x256x5xf32> to vector<256x5xf32>
    %swap3A_155 = vector.shape_cast %dot_general3A_150 : vector<256x5xf32> to vector<1x256x5xf32>
    tpu.vector_store %arg18[%swap3A, %swap3A_151, %swap3A_152], %swap3A_155 {strides = array<i32>} : memref<1x256x5xf32, #tpu.memory_space<vmem>>, vector<1x256x5xf32>,
    %lt3A = arith.constant 19 : i32
    %lt3A_156 = arith.cmpi slt, %arg0, %lt3A : i32
    %convert_element_type3A_157 = arith.extui %lt3A_156 : i1 to i32
    %cond3A_158 = arith.constant 0 : i32
    %cond3A_159 = arith.cmpi ne, %convert_element_type3A_157, %cond3A_158 : i32
    scf.if %cond3A_159 {
      %swap3A_165 = arith.constant 0 : index
      %swap3A_166 = arith.constant 0 : index
      %swap3A_167 = vector.load %arg19[%swap3A_165, %swap3A_166] : memref<256x128xf32, #tpu.memory_space<vmem>>, vector<256x128xf32>
      tpu.vector_store %arg19[%swap3A_165, %swap3A_166], %mul3A_138 {strides = array<i32>} : memref<256x128xf32, #tpu.memory_space<vmem>>, vector<256x128xf32>,
      %swap3A_168 = arith.constant 0 : index
      %swap3A_169 = arith.constant 0 : index
      %swap3A_170 = vector.load %arg20[%swap3A_168, %swap3A_169] : memref<256x128xf32, #tpu.memory_space<vmem>>, vector<256x128xf32>
      tpu.vector_store %arg20[%swap3A_168, %swap3A_169], %add3A_136 {strides = array<i32>} : memref<256x128xf32, #tpu.memory_space<vmem>>, vector<256x128xf32>,
    } else {
    }
    %eq3A_160 = arith.constant 19 : i32
    %eq3A_161 = arith.cmpi eq, %arg0, %eq3A_160 : i32
    %convert_element_type3A_162 = arith.extui %eq3A_161 : i1 to i32
    %cond3A_163 = arith.constant 0 : i32
    %cond3A_164 = arith.cmpi ne, %convert_element_type3A_162, %cond3A_163 : i32
    scf.if %cond3A_164 {
      %dot_general3A_165 = arith.constant dense<0.000000e+00> : vector<256x128xf32>
      %dot_general3A_166 = tpu.matmul %convert_element_type3A_28, %mul3A_138, %dot_general3A_165 {dimension_numbers = #tpu.dot_dimension_numbers<[1], [0], [0], [1], [0, 0, 1, 1], [], []>, precision = #tpu.contract_precision<fp32>, transpose_lhs_hint = false} : vector<256x256xf32>, vector<256x128xf32>, vector<256x128xf32> -> vector<256x128xf32>
      %swap3A_167 = arith.constant 0 : index
      %swap3A_168 = arith.constant 0 : index
      %swap3A_169 = vector.load %arg19[%swap3A_167, %swap3A_168] : memref<256x128xf32, #tpu.memory_space<vmem>>, vector<256x128xf32>
      tpu.vector_store %arg19[%swap3A_167, %swap3A_168], %dot_general3A_166 {strides = array<i32>} : memref<256x128xf32, #tpu.memory_space<vmem>>, vector<256x128xf32>,
      %dot_general3A_170 = arith.constant dense<0.000000e+00> : vector<256x128xf32>
      %dot_general3A_171 = tpu.matmul %convert_element_type3A_28, %add3A_136, %dot_general3A_170 {dimension_numbers = #tpu.dot_dimension_numbers<[1], [0], [0], [1], [0, 0, 1, 1], [], []>, precision = #tpu.contract_precision<fp32>, transpose_lhs_hint = false} : vector<256x256xf32>, vector<256x128xf32>, vector<256x128xf32> -> vector<256x128xf32>
      %swap3A_172 = arith.constant 0 : index
      %swap3A_173 = arith.constant 0 : index
      %swap3A_174 = vector.load %arg20[%swap3A_172, %swap3A_173] : memref<256x128xf32, #tpu.memory_space<vmem>>, vector<256x128xf32>
      tpu.vector_store %arg20[%swap3A_172, %swap3A_173], %dot_general3A_171 {strides = array<i32>} : memref<256x128xf32, #tpu.memory_space<vmem>>, vector<256x128xf32>,
    } else {
    }
    return
  }
  func.func @transform_0(%arg0: i32) -> (i32, i32, i32) {
    %c0_i32 = arith.constant 0 : i32
    %c0_i32_0 = arith.constant 0 : i32
    %c0_i32_1 = arith.constant 0 : i32
    return %arg0, %c0_i32, %c0_i32_0 : i32, i32, i32
  }
  func.func @transform_1(%arg0: i32) -> (i32, i32, i32) {
    %c0_i32 = arith.constant 0 : i32
    %c0_i32_0 = arith.constant 0 : i32
    %c0_i32_1 = arith.constant 0 : i32
    return %arg0, %c0_i32, %c0_i32_0 : i32, i32, i32
  }
  func.func @transform_2(%arg0: i32) -> (i32, i32, i32) {
    %c0_i32 = arith.constant 0 : i32
    %c0_i32_0 = arith.constant 0 : i32
    %c0_i32_1 = arith.constant 0 : i32
    return %arg0, %c0_i32, %c0_i32_0 : i32, i32, i32
  }
  func.func @transform_3(%arg0: i32) -> (i32, i32, i32) {
    %c0_i32 = arith.constant 0 : i32
    %c0_i32_0 = arith.constant 0 : i32
    %c0_i32_1 = arith.constant 0 : i32
    return %arg0, %c0_i32, %c0_i32_0 : i32, i32, i32
  }
  func.func @transform_4(%arg0: i32) -> (i32, i32, i32) {
    %c0_i32 = arith.constant 0 : i32
    %c0_i32_0 = arith.constant 0 : i32
    %c0_i32_1 = arith.constant 0 : i32
    return %arg0, %c0_i32, %c0_i32_0 : i32, i32, i32
  }
  func.func @transform_5(%arg0: i32) -> (i32, i32) {
    %c0_i32 = arith.constant 0 : i32
    %c0_i32_0 = arith.constant 0 : i32
    %c0_i32_1 = arith.constant 0 : i32
    return %c0_i32, %c0_i32_0 : i32, i32
  }
  func.func @transform_6(%arg0: i32) -> (i32, i32) {
    %c0_i32 = arith.constant 0 : i32
    %c0_i32_0 = arith.constant 0 : i32
    %c0_i32_1 = arith.constant 0 : i32
    return %c0_i32, %c0_i32_0 : i32, i32
  }
  func.func @transform_7(%arg0: i32) -> (i32, i32) {
    %c0_i32 = arith.constant 0 : i32
    %c0_i32_0 = arith.constant 0 : i32
    %c0_i32_1 = arith.constant 0 : i32
    return %c0_i32, %c0_i32_0 : i32, i32
  }
  func.func @transform_8(%arg0: i32) -> (i32, i32) {
    %c0_i32 = arith.constant 0 : i32
    %c0_i32_0 = arith.constant 0 : i32
    %c0_i32_1 = arith.constant 0 : i32
    return %c0_i32, %c0_i32_0 : i32, i32
  }
  func.func @transform_9(%arg0: i32) -> (i32, i32) {
    %c0_i32 = arith.constant 0 : i32
    %c0_i32_0 = arith.constant 0 : i32
    %c0_i32_1 = arith.constant 0 : i32
    return %c0_i32, %c0_i32_0 : i32, i32
  }
  func.func @transform_10(%arg0: i32) -> (i32, i32) {
    %c0_i32 = arith.constant 0 : i32
    %c0_i32_0 = arith.constant 0 : i32
    %c0_i32_1 = arith.constant 0 : i32
    return %c0_i32, %c0_i32_0 : i32, i32
  }
  func.func @transform_11(%arg0: i32) -> (i32, i32) {
    %c0_i32 = arith.constant 0 : i32
    %c0_i32_0 = arith.constant 0 : i32
    %c0_i32_1 = arith.constant 0 : i32
    return %c0_i32, %c0_i32_0 : i32, i32
  }
  func.func @transform_12(%arg0: i32) -> (i32, i32) {
    %c0_i32 = arith.constant 0 : i32
    %c0_i32_0 = arith.constant 0 : i32
    %c0_i32_1 = arith.constant 0 : i32
    return %c0_i32, %c0_i32_0 : i32, i32
  }
  func.func @transform_13(%arg0: i32) -> (i32, i32) {
    %c0_i32 = arith.constant 0 : i32
    %c0_i32_0 = arith.constant 0 : i32
    %c0_i32_1 = arith.constant 0 : i32
    return %c0_i32, %c0_i32_0 : i32, i32
  }
  func.func @transform_14(%arg0: i32) -> (i32, i32) {
    %c0_i32 = arith.constant 0 : i32
    %c0_i32_0 = arith.constant 0 : i32
    %c0_i32_1 = arith.constant 0 : i32
    return %c0_i32, %c0_i32_0 : i32, i32
  }
  func.func @transform_15(%arg0: i32) -> (i32, i32) {
    %c0_i32 = arith.constant 0 : i32
    %c0_i32_0 = arith.constant 0 : i32
    %c0_i32_1 = arith.constant 0 : i32
    return %c0_i32, %c0_i32_0 : i32, i32
  }
  func.func @transform_16(%arg0: i32) -> (i32, i32) {
    %c0_i32 = arith.constant 0 : i32
    %c0_i32_0 = arith.constant 0 : i32
    %c0_i32_1 = arith.constant 0 : i32
    return %c0_i32, %c0_i32_0 : i32, i32
  }
  func.func @transform_17(%arg0: i32) -> (i32, i32, i32) {
    %c0_i32 = arith.constant 0 : i32
    %c0_i32_0 = arith.constant 0 : i32
    %c0_i32_1 = arith.constant 0 : i32
    return %arg0, %c0_i32, %c0_i32_0 : i32, i32, i32
  }
  func.func @transform_18(%arg0: i32) -> (i32, i32) {
    %c0_i32 = arith.constant 0 : i32
    %c0_i32_0 = arith.constant 0 : i32
    %c0_i32_1 = arith.constant 0 : i32
    return %c0_i32, %c0_i32_0 : i32, i32
  }
  func.func @transform_19(%arg0: i32) -> (i32, i32) {
    %c0_i32 = arith.constant 0 : i32
    %c0_i32_0 = arith.constant 0 : i32
    %c0_i32_1 = arith.constant 0 : i32
    return %c0_i32, %c0_i32_0 : i32, i32
  }
}

</mosaic_0001>

<sc_bundles>
// kernel: gather_offload_async_start
scs
__scs_entry_jumppad:
0x0: {  	(pc) =	sbr.rel $0x88, $3  }
0x1: {  	(tag) =	ssettag $0x0;
	lr =	simm.s32 $0x1  }
0x2: {  	[smem:$0x3F92] =	sst lr;
	_ =	strace $0xD0000000  }
0x3: {  	_ = 	snop  }
0x4: {  	_ = 	snop  }
0x5: {  	_ = 	snop  }
0x6: {  	_ = 	snop  }
0x7: {  	_ = 	snop  }
__scs_overlays_trampoline_lowered:
0x8: {  	[smem:$0x3FA1] =	sst s0  }
0x9: {  	[smem:$0x3FA2] =	sst s1  }
0xa: {  	[smem:$0x3FA3] =	sst s2  }
0xb: {  	[smem:$0x3FA4] =	sst s3  }
0xc: {  	[smem:$0x3FA5] =	sst s4  }
0xd: {  	[smem:$0x3FA6] =	sst s5  }
0xe: {  	[smem:$0x3FA7] =	sst s6  }
0xf: {  	[smem:$0x3FA8] =	sst s7  }
0x10: {  	[smem:$0x3FA9] =	sst s8  }
0x11: {  	[smem:$0x3FAA] =	sst s9;
	s0 =	simm.s32 @!p0 $0x0  }
0x12: {  	s1 =	sld [smem:$0x3F90];
	s0 =	simm.s32 @p0 $0x1  }
0x13: {  	[smem:$0x3FAB] =	sst s0;
	s0 =	simm.s32 @!p1 $0x0  }
0x14: {  	s2 =	sld [smem:$0x3F8F];
	s0 =	simm.s32 @p1 $0x1  }
0x15: {  	[smem:$0x3FAC] =	sst s0;
	s0 =	simm.s32 @!p2 $0x0  }
0x16: {  	s3 =	sld [smem:$0x3FDB];
	s0 =	simm.s32 @p2 $0x1  }
0x17: {  	s4 =	simm.s32 $0x1BF5;
	[smem:$0x3FAE] =	sst s0  }
0x18: {  	s0 =	sld [smem:$0x3F91];
	_ =	swait.ge [sflag:s4], $0x0  }
0x19: {  	s7 =	sld [smem:$0x3F92]  }
0x1a: {  	s8 =	sadd.s32 $0xFFFFE003, lr  }
0x1b: {  	s9 =	sadd.s32 $0xFFFFFEF7, lr;
	s5 =	simm.s32 $0xFFFFFFFF;
	p2 =	slt.u32 s8, $0xFFFFF086  }
0x1c: {  	p1 =	slt.u32 s9, $0xF7A;
	s5 =	simm.s32 @!p2 $0x0  }
0x1d: {  	s5 =	simm.s32 @p1 $0x1;
	p0 =	seq.s32 s7, s2  }
0x1e: {  	s7 =	smul.u32 @!p0 $0xF7A, s2;
	p2 =	seq.s32 @!p0 s5, $0x0  }
0x1f: {  	s9 =	smul.u32 $0xF7A, s1;
	s8 =	simm.s32 @!p0 $0x1BF5;
	p2 =	por !p2, p0  }
0x20: {  	[sflag:s8] =	ssyncset.s32 @!p0 $0xFFFFF086;
	s6 =	sadd.s32 @!p0 s3, s7;
	s7 =	simm.s32 @!p0 $0x108  }
0x21: {  	s3 =	sadd.s32 s3, s9;
	s6 =	sadd.s32 @!p0 $0x88, s6;
	s7 =	simm.s32 @p2 $0x1082  }
0x22: {  	[simem:s7], [sflag:s8] =	dma.local @!p0 [hbm:s6], $0xF7A  }
0x23: {  	s9 =	sor.u32 $0xD0000000, s2;
	s6 =	simm.s32 $0x108;
	_ =	swait.ge @!p0 [sflag:s8], $0x0  }
0x24: {  	s3 =	sadd.s32 $0x88, s3;
	s6 =	simm.s32 @!p1 $0x1082;
	[sflag:s4] =	ssyncset.s32 $0xFFFFF086  }
0x25: {  	[simem:s6], [sflag:s4] =	dma.local [hbm:s3], $0xF7A  }
0x26: {  	[smem:$0x3F92] =	sst s1;
	(tag) =	ssettag s2;
	_ =	strace s9  }
0x27: {  	s1 =	sld [smem:$0x3FA2]  }
0x28: {  	s2 =	sld [smem:$0x3FA3]  }
0x29: {  	s4 =	sld [smem:$0x3FA5]  }
0x2a: {  	p0 =	seq.s32 s5, $0x0;
	s5 =	sld [smem:$0x3FA6]  }
0x2b: {  	s6 =	sld [smem:$0x3FA7]  }
0x2c: {  	s7 =	sld [smem:$0x3FA8]  }
0x2d: {  	s3 =	simm.s32 $0x108;
	s8 =	sld [smem:$0x3FA9]  }
0x2e: {  	s3 =	simm.s32 @!p0 $0x1082;
	s9 =	sld [smem:$0x3FAA]  }
0x2f: {  	lr =	sadd.s32 s0, s3;
	s0 =	sld [smem:$0x3FA1]  }
0x30: {  	s3 =	sld [smem:$0x3FA4]  }
0x31: {  	[smem:$0x3FAD] =	sst s10  }
0x32: {  	s10 =	sld [smem:$0x3FAB];
	_ =	sdelay $0x3  }
0x33: {  	p0 =	seq.s32 s10, $0x1;
	s10 =	sld [smem:$0x3FAD];
	_ =	sdelay $0x3  }
0x34: {  	[smem:$0x3FAD] =	sst s10  }
0x35: {  	s10 =	sld [smem:$0x3FAC];
	_ =	sdelay $0x3  }
0x36: {  	p1 =	seq.s32 s10, $0x1;
	s10 =	sld [smem:$0x3FAD];
	_ =	sdelay $0x3  }
0x37: {  	[smem:$0x3FAD] =	sst s10  }
0x38: {  	s10 =	sld [smem:$0x3FAE]  }
0x39: {  	_ = 	snop;
	(pc) =	sbr.ind lr, $3  }
0x3a: {  	_ = 	snop  }
0x3b: {  	_ = 	snop  }
0x3c: {  	p2 =	seq.s32 s10, $0x1;
	s10 =	sld [smem:$0x3FAD]  }
0x3d: {  	_ =	shalt  }
0x3e: {  	_ =	shalt  }
0x3f: {  	_ =	shalt  }
0x40: {  	_ =	shalt  }
0x41: {  	_ =	shalt  }
0x42: {  	_ =	shalt  }
0x43: {  	_ =	shalt  }
0x44: {  	_ =	shalt  }
0x45: {  	_ =	shalt  }
0x46: {  	_ =	shalt  }
0x47: {  	_ =	shalt  }
0x48: {  	_ =	shalt  }
0x49: {  	_ =	shalt  }
0x4a: {  	_ =	shalt  }
0x4b: {  	_ =	shalt  }
0x4c: {  	_ =	shalt  }
0x4d: {  	_ =	shalt  }
0x4e: {  	_ =	shalt  }
0x4f: {  	_ =	shalt  }
0x50: {  	_ =	shalt  }
0x51: {  	_ =	shalt  }
0x52: {  	_ =	shalt  }
0x53: {  	_ =	shalt  }
0x54: {  	_ =	shalt  }
0x55: {  	_ =	shalt  }
0x56: {  	_ =	shalt  }
0x57: {  	_ =	shalt  }
0x58: {  	_ =	shalt  }
0x59: {  	_ =	shalt  }
0x5a: {  	_ =	shalt  }
0x5b: {  	_ =	shalt  }
0x5c: {  	_ =	shalt  }
0x5d: {  	_ =	shalt  }
0x5e: {  	_ =	shalt  }
0x5f: {  	_ =	shalt  }
0x60: {  	_ =	shalt  }
0x61: {  	_ =	shalt  }
0x62: {  	_ =	shalt  }
0x63: {  	_ =	shalt  }
0x64: {  	_ =	shalt  }
0x65: {  	_ =	shalt  }
0x66: {  	_ =	shalt  }
0x67: {  	_ =	shalt  }
0x68: {  	_ =	shalt  }
0x69: {  	_ =	shalt  }
0x6a: {  	_ =	shalt  }
0x6b: {  	_ =	shalt  }
0x6c: {  	_ =	shalt  }
0x6d: {  	_ =	shalt  }
0x6e: {  	_ =	shalt  }
0x6f: {  	_ =	shalt  }
0x70: {  	_ =	shalt  }
0x71: {  	_ =	shalt  }
0x72: {  	_ =	shalt  }
0x73: {  	_ =	shalt  }
0x74: {  	_ =	shalt  }
0x75: {  	_ =	shalt  }
0x76: {  	_ =	shalt  }
0x77: {  	_ =	shalt  }
0x78: {  	_ =	shalt  }
0x79: {  	_ =	shalt  }
0x7a: {  	_ =	shalt  }
0x7b: {  	_ =	shalt  }
0x7c: {  	_ =	shalt  }
0x7d: {  	_ =	shalt  }
0x7e: {  	_ =	shalt  }
0x7f: {  	_ =	shalt  }
0x80: {  	_ =	shalt  }
0x81: {  	_ =	shalt  }
0x82: {  	_ =	shalt  }
0x83: {  	_ =	shalt  }
0x84: {  	_ =	shalt  }
0x85: {  	_ =	shalt  }
0x86: {  	_ =	shalt  }
0x87: {  	_ =	shalt  }
.Lfunc_end0:
.L_simem_size_0:
called_computation.1_lowered:
.L_overlay_start_0:
0x88: {  	s2 =	sld [smem:$0x3FD9]  }
0x89: {  	s3 =	sld [smem:$0x3FFE];
	_ =	sdelay $0x1  }
0x8a: {  	s1 =	srdreg.scid  }
0x8b: {  	s0 =	sand.u32 $0x1, s1  }
0x8c: {  	s15 =	sshll.u32 s0, $0xA;
	s2 =	sadd.s32 s3, s2  }
0x8d: {  	s2 =	sadd.s32 s2, s15  }
0x8e: {  	[smem:$0x3FB9] =	sst s2  }
0x8f: {  	_ = 	snop  }
0x90: {  	s2 =	sld [smem:$0x3FD0];
	_ =	sdelay $0x2  }
0x91: {  	s16 =	simm.s32 $0xB;
	s4 =	simm.s32 $0x10  }
0x92: {  	[smem:s4], [sflag:s16] =	dma.local [hbm:s2], $0x1  }
0x93: {  	_ =	swait.eq [sflag:s16], $0x1  }
0x94: {  	s17 =	sld [smem:$0x10];
	[sflag:s16] =	ssyncset.done $0x0  }
0x95: {  	s18 =	sld [smem:$0x11];
	[sflag:s16] =	ssyncadd.s32 $0xFFFFFFFF  }
0x96: {  	s19 =	sld [smem:$0x12];
	(tm) =	ssettm $0x1  }
0x97: {  	s5 =	sld [smem:$0x3FFB];
	_ =	sdelay $0x3  }
0x98: {  	_ =	strace s5  }
0x99: {  	s5 =	sld [smem:$0x3FFC];
	_ =	sdelay $0x3  }
0x9a: {  	_ =	strace s5  }
0x9b: {  	s5 =	sld [smem:$0x3FFD];
	_ =	sdelay $0x3  }
0x9c: {  	_ =	strace s5  }
0x9d: {  	_ =	strace $0x8FFFFFFF  }
0x9e: {  	s20 =	sld [smem:$0x3FDB];
	_ =	sdelay $0x1  }
0x9f: {  	s6 =	simm.s32 $_scs_section_size  }
0xa0: {  	s7 =	simm.s32 $_size__tile_overlayer_lowered;
	s8 =	simm.s32 $_tile_overlayer_lowered  }
0xa1: {  	s23 =	simm.s32 $0x1BFF;
	s22 =	sshll.u32 s8, $0x1;
	s5 =	sadd.s32 s6, s20  }
0xa2: {  	s9 =	simm.s32 $0x0;
	s21 =	sshll.u32 s7, $0x1;
	s7 =	sadd.s32 s22, s5  }
0xa3: {  	[timem:s9], [sflag:s23] =	dma.local [hbm:s7], s21  }
0xa4: {  	_ =	swait.ge [sflag:s23], s21  }
0xa5: {  	s6 =	ssub.s32 $0x0, s21;
	[sflag:s23] =	ssyncset.done $0x0  }
0xa6: {  	[sflag:s23] =	ssyncadd.s32 s6;
	_ =	sdelay $0x1  }
0xa7: {  	s24 =	simm.s32 $0x1B8B  }
0xa8: {  	_ =	swait.ge [sflag:s24], $0x1  }
0xa9: {  	[sflag:s24] =	ssyncset.done $0x0  }
0xaa: {  	s25 =	simm.s32 $0x1B8E;
	[sflag:s24] =	ssyncadd.s32 $0xFFFFFFFF  }
0xab: {  	s26 =	simm.s32 $execute0_lowered;
	[smem:$0x3FD2] =	sst s25  }
0xac: {  	s6 =	sshll.u32 s26, $0x1;
	_ =	strace $0x80000046;
	[dreg:$0x1] =	wrdreg $0xFFFFFFFF  }
0xad: {  	s28 =	simm.s32 $_size_execute0_lowered;
	s5 =	sadd.s32 s5, s6;
	[dreg:$0x0] =	wrdreg $0x0  }
0xae: {  	s6 =	sshll.u32 s28, $0x1;
	[dreg:$0x2] =	wrdreg s5  }
0xaf: {  	[dreg:$0x3] =	wrdreg s6  }
0xb0: {  	[dreg:$0x4] =	wrdreg $0xC0  }
0xb1: {  	_ =	task [dreg:s9], $0x5FFFF  }
0xb2: {  	[dreg:$0x1] =	wrdreg $0xFFFFFFFF  }
0xb3: {  	[dreg:$0x0] =	wrdreg $0x60  }
0xb4: {  	[dreg:$0x2] =	wrdreg s19  }
0xb5: {  	[dreg:$0x3] =	wrdreg s17  }
0xb6: {  	[dreg:$0x4] =	wrdreg s18  }
0xb7: {  	[dreg:$0x5] =	wrdreg $0xA  }
0xb8: {  	_ =	task.clear_ibuf [dreg:s9], $0x6FFFF;
	_ =	strace $0x90000046  }
0xb9: {  	s29 =	simm.s32 $0xA;
	_ =	strace $0x80000048  }
0xba: {  	_ =	swait.ge [sflag:s29], $0x1  }
0xbb: {  	[sflag:s29] =	ssyncadd.s32 $0xFFFFFFFF  }
0xbc: {  	_ =	strace $0x90000048  }
0xbd: {  	_ =	sfence  }
0xbe: {  	s30 =	sld [smem:$0x0];
	_ =	sdelay $0x2  }
0xbf: {  	s31 =	sshll.u32 s1, $0xD;
	s1 =	sshrl.u32 s1, $0x2  }
0xc0: {  	s3 =	sand.u32 $0x4000, s31;
	s1 =	sadd.s32 s1, s30  }
0xc1: {  	s0 =	sor.u32 s3, s0;
	s1 =	sshll.u32 s1, $0x11  }
0xc2: {  	s0 =	sor.u32 s1, s0  }
0xc3: {  	s0 =	sadd.s32 $0x8F2B, s0  }
0xc4: {  	[sflag:s0] =	ssyncadd.remote.s32 $0x1  }
0xc5: {  	_ =	sfence.sel $0xFFFF  }
0xc6: {  	[dreg:$0x0] =	wrdreg $0xFFFFFFFF;
	(pc) =	sbr.abs _section_cstart, $3  }
0xc7: {  	[dreg:$0x1] =	wrdreg $0xFFFFFFFF  }
0xc8: {  	_ =	task.clear_ibuf [dreg:s9], $0x2FFFF;
	_ =	strace $0x9FFFFFFF  }
0xc9: {  	(tm) =	ssettm $0x7FFFFFFF  }
tec
execute0_lowered:
.L_overlay_start_1:
0x0: {  	(tag) =	ssettag $0x1  }
0x1: {  	s1 =	srdreg.scid;
	s2 =	rddreg [dreg:$0x0]  }
0x2: {  	s0 =	stileid.u32;
	s3 =	rddreg [dreg:$0x1]  }
0x3: {  	s4 =	rddreg [dreg:$0x2];
	s6 =	simm.s32 $0x1;
	s1 =	sshll.u32 s1, $0x7  }
0x4: {  	s9 =	simm.s32 $0x1;
	s5 =	sshll.u32 s0, $0x8;
	s1 =	sand.u32 $0x80, s1  }
0x5: {  	s10 =	simm.s32 $0x3;
	s13 =	simm.s32 $0x0;
	s5 =	sor.u32 s5, s1  }
0x6: {  	s12 =	simm.s32 $0x0;
	s1 =	rddreg [dreg:$0x3];
	s8 =	ssub.s32 $0x1300, s5  }
.Ltmp0:
0x7: {  	_ =	strace $0x80000047;
	s7 =	sand.u32 $0xF80, s8;
	(pc) =	sbr.rel .LBB2_1-.Ltmp0, $4  }
0x8: {  	[sflag:s6] =	ssyncpa.u1 $0x0;
	s11 =	smov.u32 s5;
	p0 =	sne.s32 s7, $0x0  }
0x9: {  	s8 =	sshrl.u32 s8, $0xC;
	s7 =	simm.s32 $0x2;
	s9 =	simm.s32 @!p0 $0x0  }
0xa: {  	[sflag:s7] =	ssyncpa.u1 $0x0;
	p0 =	por $0x0, $0x0;
	s8 =	sadd.s32 s9, s8  }
0xb: {  	vm0 =	vmmov $0xffff;
	[sflag:s10] =	ssyncpa.u1 $0x0;
	s10 =	simm.s32 $0x0;
	s9 =	sadd.s32 $0x1, s8  }
.LBB2_4:
0xc: {  	vm1 =	veq.s32 v0, $0x80000000;
	v63 =	vand.u32 $0x1F, v0;
	v2 =	vand.u32 $0xFF, v2  }
0xd: {  	v0 =	vsel vm1, $0xFFFFFFFF, v63;
	v2 =	vsel vm1, $0xFFFFFFFF, v2  }
0xe: {  	v3 =	vshll.u32 v0, $0x8;
	v4 =	vshll.u32 v2, $0x3  }
0xf: {  	v0 =	vshll.u32 v0, $0x7;
	v3 =	vand.u32 $0xFFFFF800, v3;
	v4 =	vand.u32 $0xFFFFFC00, v4  }
0x10: {  	v0 =	vand.u32 $0x380, v0;
	v3 =	vadd.s32 v3, v4  }
0x11: {  	v2 =	vand.u32 $0x7F, v2;
	v0 =	vor.u32 v0, v3  }
0x12: {  	v0 =	vor.u32 v2, v0;
	_ =	sdelay $0x1  }
0x13: {  	(ifvalue) =	ssetifvalue $0x7FFFFFFF;
	s14 =	sadd.s32 $0x10, s14  }
0x14: {  	[tilespmem:s14], [sflag:$0x1] =	stream.indirect_vreg.gather [hbm4b:s2+s10], $0x1, v1, vm0, $0x4038;
	[tilespmem:$0x200] =	vst v63  }
0x15: {  	(ifvalue) =	ssetifvalue $0x7FFFFFFF;
	s14 =	sadd.s32 $0x10, s14  }
0x16: {  	[tilespmem:s14], [sflag:$0x1] =	stream.indirect_vreg.gather [hbm4b:s2+s10], $0x1, v0, vm0, $0x4038;
	[tilespmem:$0x200] =	vst v63  }
0x17: {  	_ =	swait.ge [sflag:s6], $0x80  }
0x18: {  	s30 =	sshrl.u32 s13, $0x3;
	[sflag:s6] =	ssyncset.done $0x0  }
0x19: {  	s31 =	sand.u32 $0x7, s13;
	s14 =	sadd.s32 s4, s30;
	[sflag:s6] =	ssyncadd.s32 $0xFFFFFF80  }
0x1a: {  	[hbm4b:s14+s31] =	stream.linear.scatter [tilespmem:s15], [sflag:$0x3], $0x80, $0x38;
	[tilespmem:$0x200] =	vst v63  }
.LBB2_5:
0x1b: {  	s15 =	sadd.s32 $0x1000, s11  }
0x1c: {  	p2 =	sgt.s32 s15, $0x12FF  }
0x1d: {  	s15 =	smov.u32 @p2 s5;
	p2 =	sne.s32 s12, s9  }
.Ltmp1:
0x1e: {  	p1 =	slt.u32 s12, $0x2;
	(pc) =	sbr.rel @!p2 .LBB2_6-.Ltmp1, $4  }
0x1f: {  	s14 =	simm.s32 @!p1 $0x3  }
0x20: {  	s16 =	sadd.s32 $0x1, s12;
	_ =	swait.ge @!p1 [sflag:s14], $0x80  }
0x21: {  	s13 =	smov.u32 s11;
	p0 =	por !p0, !p0;
	[sflag:s14] =	ssyncset.done @!p1 $0x0  }
0x22: {  	s12 =	smov.u32 s16;
	s11 =	smov.u32 s15;
	[sflag:s14] =	ssyncadd.s32 @!p1 $0xFFFFFF80  }
.LBB2_1:
0x23: {  	p1 =	sge.u32 s12, s8  }
0x24: {  	s14 =	sxor.u32 @!p1 $0xFFFFFFFF, s12  }
0x25: {  	s31 =	sadd.s32 $0xFFFFFFFF, s12;
	s15 =	sshrl.u32 @!p1 s11, $0x3;
	s14 =	sshll.u32 @!p1 s14, $0x7  }
0x26: {  	s16 =	sand.u32 @!p1 $0x7, s11;
	s15 =	sadd.s32 @!p1 s3, s15;
	s14 =	sand.u32 @!p1 $0x80, s14  }
0x27: {  	[tilespmem:s14], [sflag:$0x2] =	stream.linear.gather @!p1 [hbm4b:s15+s16], $0x80, $0x38;
	[tilespmem:$0x200] =	vst v63  }
0x28: {  	p1 =	sge.u32 s31, s8  }
.Ltmp2:
0x29: {  	_ = 	snop;
	(pc) =	sbr.rel @p1 .LBB2_5-.Ltmp2, $1  }
0x2a: {  	_ =	sdelay $0x3  }
0x2b: {  	s14 =	simm.s32 $0x1  }
0x2c: {  	_ =	swait.ge [sflag:s7], $0x80;
	s14 =	simm.s32 @!p0 $0x0  }
0x2d: {  	[sflag:s7] =	ssyncset.done $0x0;
	s14 =	sshll.u32 s14, $0x7  }
0x2e: {  	[sflag:s7] =	ssyncadd.s32 $0xFFFFFF80;
	(ifvalue) =	ssetifvalue $0x7FFFFFFF;
	v0 =	vld.msk [tilespmem:s14+$0x0 ss:$0x1], $0xffff;
	_ =	sdelay $0x3  }
0x2f: {  	s15 =	sadd.s32 $0x10, s14  }
0x30: {  	v2 =	vld.msk [tilespmem:s15+$0x0 ss:$0x1], $0xffff;
	v1 =	vshrl.u32 v0, $0x5  }
0x31: {  	vm1 =	veq.s32 v0, $0x80000000;
	v0 =	vand.u32 $0x1F, v0;
	v1 =	vand.u32 $0xFF, v1  }
0x32: {  	v0 =	vsel vm1, $0xFFFFFFFF, v0;
	v1 =	vsel vm1, $0xFFFFFFFF, v1  }
0x33: {  	v3 =	vshll.u32 v0, $0x8;
	v4 =	vshll.u32 v1, $0x3  }
0x34: {  	v0 =	vshll.u32 v0, $0x7;
	v3 =	vand.u32 $0xFFFFF800, v3;
	v4 =	vand.u32 $0xFFFFFC00, v4  }
0x35: {  	vm1 =	veq.s32 v2, $0x80000000;
	v0 =	vand.u32 $0x380, v0;
	v3 =	vadd.s32 v3, v4  }
0x36: {  	v1 =	vand.u32 $0x7F, v1;
	v0 =	vor.u32 v0, v3;
	v3 =	vshrl.u32 v2, $0x5  }
0x37: {  	s17 =	sadd.s32 $0x10, s15;
	v2 =	vand.u32 $0x1F, v2;
	v1 =	vor.u32 v1, v0;
	v3 =	vand.u32 $0xFF, v3  }
0x38: {  	v0 =	vld.msk [tilespmem:s17+$0x0 ss:$0x1], $0xffff;
	v2 =	vsel vm1, $0xFFFFFFFF, v2;
	v3 =	vsel vm1, $0xFFFFFFFF, v3  }
0x39: {  	v63 =	vshll.u32 v2, $0x8;
	v5 =	vshll.u32 v3, $0x3  }
0x3a: {  	s31 =	sshll.u32 s12, $0x7;
	v2 =	vshll.u32 v2, $0x7;
	v4 =	vand.u32 $0xFFFFF800, v63;
	v5 =	vand.u32 $0xFFFFFC00, v5  }
0x3b: {  	s14 =	sor.u32 $0x100, s14;
	s15 =	sand.u32 $0x80, s31;
	(ifvalue) =	ssetifvalue $0x7FFFFFFF;
	v2 =	vand.u32 $0x380, v2;
	v4 =	vadd.s32 v4, v5  }
0x3c: {  	[tilespmem:s14], [sflag:$0x1] =	stream.indirect_vreg.gather [hbm4b:s2+s10], $0x1, v1, vm0, $0x4038;
	v1 =	vand.u32 $0x7F, v3;
	v3 =	vor.u32 v2, v4;
	[tilespmem:$0x200] =	vst v63  }
0x3d: {  	s16 =	simm.s32 $0x20;
	s15 =	sor.u32 $0x100, s15;
	s17 =	sadd.s32 $0x10, s17;
	v2 =	vshrl.u32 v0, $0x5;
	v1 =	vor.u32 v1, v3  }
.LBB2_3:
0x3e: {  	s16 =	sadd.s32 $0x10, s16;
	vm1 =	veq.s32 v0, $0x80000000;
	v3 =	vand.u32 $0x1F, v0;
	v0 =	vld.msk [tilespmem:s17+$0x0 ss:$0x1], $0xffff;
	v2 =	vand.u32 $0xFF, v2  }
0x3f: {  	p1 =	slt.u32 s16, $0x70;
	v3 =	vsel vm1, $0xFFFFFFFF, v3;
	v2 =	vsel vm1, $0xFFFFFFFF, v2  }
.Ltmp3:
0x40: {  	v4 =	vshll.u32 v3, $0x8;
	v5 =	vshll.u32 v2, $0x3;
	(pc) =	sbr.rel @p1 .LBB2_3-.Ltmp3, $4  }
0x41: {  	s14 =	sadd.s32 $0x10, s14;
	v3 =	vshll.u32 v3, $0x7;
	v4 =	vand.u32 $0xFFFFF800, v4;
	v5 =	vand.u32 $0xFFFFFC00, v5;
	(ifvalue) =	ssetifvalue $0x7FFFFFFF  }
0x42: {  	v3 =	vand.u32 $0x380, v3;
	v4 =	vadd.s32 v4, v5;
	[tilespmem:s14], [sflag:$0x1] =	stream.indirect_vreg.gather [hbm4b:s2+s10], $0x1, v1, vm0, $0x4038;
	[tilespmem:$0x200] =	vst v63  }
0x43: {  	v1 =	vand.u32 $0x7F, v2;
	v3 =	vor.u32 v3, v4  }
0x44: {  	s17 =	sadd.s32 $0x10, s17;
	v2 =	vshrl.u32 v0, $0x5;
	v1 =	vor.u32 v1, v3  }
.Ltmp4:
0x45: {  	_ = 	snop;
	(pc) =	sbr.rel .LBB2_4-.Ltmp4, $1  }
0x46: {  	_ =	sdelay $0x3  }
.LBB2_6:
0x47: {  	_ =	sfence.sel $0x180000  }
0x48: {  	s2 =	simm.s32 $0x2;
	[bflag:$0x0] =	sbarrier.arrive $0xFFFF  }
0x49: {  	s30 =	simm.s32 $0x3;
	[sflag:s2] =	ssyncpa.u1 $0x1  }
0x4a: {  	s31 =	simm.s32 $0x1;
	[sflag:s30] =	ssyncpa.u1 $0x1  }
0x4b: {  	[sflag:s31] =	ssyncpa.u1 $0x1  }
0x4c: {  	p0 =	sne.s32 s0, $0x0;
	_ =	strace $0x90000047  }
0x4d: {  	s0 =	sadd.s32 @!p0 $0x100000, s1;
	[bflag:$0x2] =	sbarrier.arrive $0xFFFF  }
0x4e: {  	[sflag:s0] =	ssyncadd.tile.s32 @!p0 $0x1;
	_ =	shalt  }
.Lfunc_end2:
_tile_overlayer_lowered:
.L_overlay_start_2:
0x4f: {  	(tag) =	ssettag $0x2  }
0x50: {  	s0 =	rddreg [dreg:$0x0];
	s2 =	stileid.u32  }
0x51: {  	s1 =	rddreg [dreg:$0x1];
	p0 =	sne.s32 s2, $0x0  }
0x52: {  	s3 =	rddreg [dreg:$0x2];
	[bflag:$0x3] =	sbarrier.arrive $0xFFFF;
	s2 =	simm.s32 @!p0 $0x1C01  }
0x53: {  	[timem:s3], [sflag:s2] =	dma.local @!p0 [hbm:s0], s1  }
0x54: {  	s0 =	simm.s32 @!p0 $0x1  }
0x55: {  	_ =	swait.ge @!p0 [sflag:s0], s1  }
0x56: {  	s1 =	ssub.s32 @!p0 $0x0, s1;
	[sflag:s0] =	ssyncset.done @!p0 $0x0  }
0x57: {  	[sflag:s0] =	ssyncadd.s32 @!p0 s1  }
0x58: {  	[bflag:$0x3] =	sbarrier.arrive $0xFFFF  }
0x59: {  	_ =	shalt  }

// kernel: sparse-core-data-format-call.cloned.1.call-start
scs
called_computation_lowered:
.L_overlay_start_0:
0x0: {  	s2 =	sld [smem:$0x3FD9]  }
0x1: {  	s3 =	sld [smem:$0x3FFE];
	_ =	sdelay $0x1  }
0x2: {  	s1 =	srdreg.scid  }
0x3: {  	s0 =	sand.u32 $0x1, s1  }
0x4: {  	s18 =	sshll.u32 s0, $0xA;
	s2 =	sadd.s32 s3, s2  }
0x5: {  	s2 =	sadd.s32 s2, s18  }
0x6: {  	[smem:$0x3FB9] =	sst s2  }
0x7: {  	_ = 	snop  }
0x8: {  	(tm) =	ssettm $0x1  }
0x9: {  	s19 =	sld [smem:$0x3FFB];
	_ =	sdelay $0x3  }
0xa: {  	_ =	strace s19  }
0xb: {  	s2 =	sld [smem:$0x3FFC];
	_ =	sdelay $0x3  }
0xc: {  	_ =	strace s2  }
0xd: {  	s2 =	sld [smem:$0x3FFD];
	_ =	sdelay $0x3  }
0xe: {  	_ =	strace s2  }
0xf: {  	_ =	strace $0x8FFFFFFF  }
0x10: {  	s20 =	sld [smem:$0x3FDB];
	_ =	sdelay $0x1  }
0x11: {  	s21 =	simm.s32 $_scs_section_size  }
0x12: {  	s4 =	simm.s32 $_size__tile_overlayer_lowered;
	s5 =	simm.s32 $_tile_overlayer_lowered  }
0x13: {  	s6 =	simm.s32 $0x1BFF;
	s22 =	sshll.u32 s5, $0x1;
	s3 =	sadd.s32 s21, s20  }
0x14: {  	s23 =	simm.s32 $0x0;
	s4 =	sshll.u32 s4, $0x1;
	s5 =	sadd.s32 s22, s3  }
0x15: {  	[timem:s23], [sflag:s6] =	dma.local [hbm:s5], s4  }
0x16: {  	_ =	swait.ge [sflag:s6], s4  }
0x17: {  	s4 =	ssub.s32 $0x0, s4;
	[sflag:s6] =	ssyncset.done $0x0  }
0x18: {  	[sflag:s6] =	ssyncadd.s32 s4;
	_ =	sdelay $0x1  }
0x19: {  	s24 =	simm.s32 $0x1B8B  }
0x1a: {  	_ =	swait.ge [sflag:s24], $0x1  }
0x1b: {  	[sflag:s24] =	ssyncset.done $0x0  }
0x1c: {  	[sflag:s24] =	ssyncadd.s32 $0xFFFFFFFF  }
0x1d: {  	s4 =	sld [smem:$0x0]  }
0x1e: {  	s5 =	sand.u32 $0xFFFFFFFE, s1  }
0x1f: {  	p0 =	sne.s32 s1, s5  }
0x20: {  	s5 =	sshll.u32 @p0 s5, $0xE  }
0x21: {  	s5 =	sadd.s32 @p0 $0x11B8D, s5;
	s6 =	sshll.u32 @p0 s4, $0x11  }
0x22: {  	s5 =	sor.u32 @p0 s6, s5  }
0x23: {  	[sflag:s5] =	ssyncadd.remote.s32 @p0 $0x1;
	_ =	sdelay $0x1  }
0x24: {  	s5 =	simm.s32 @p0 $0x1B8D  }
0x25: {  	_ =	swait.eq @p0 [sflag:s5], $0x1  }
0x26: {  	[sflag:s5] =	ssyncadd.s32 @p0 $0xFFFFFFFF  }
0x27: {  	s6 =	sshll.u32 @!p0 s1, $0xE  }
0x28: {  	s6 =	sor.u32 @!p0 $0x4000, s6;
	s5 =	simm.s32 @!p0 $0x1B8D  }
0x29: {  	s4 =	sshll.u32 @!p0 s4, $0x11;
	s6 =	sadd.s32 @!p0 $0x11B8D, s6;
	_ =	swait.eq @!p0 [sflag:s5], $0x1  }
0x2a: {  	s4 =	sor.u32 @!p0 s4, s6;
	[sflag:s5] =	ssyncadd.s32 @!p0 $0xFFFFFFFF  }
0x2b: {  	s26 =	simm.s32 $0x1B8E;
	s25 =	sld [smem:$0x3FFE];
	[sflag:s4] =	ssyncadd.remote.s32 @!p0 $0x1  }
0x2c: {  	s27 =	simm.s32 $execute0_lowered;
	[smem:$0x3FD2] =	sst s26  }
0x2d: {  	s5 =	sshll.u32 s27, $0x1;
	_ =	strace $0x80000049;
	[dreg:$0x1] =	wrdreg $0xFFFFFFFF  }
0x2e: {  	s28 =	simm.s32 $_size_execute0_lowered;
	s3 =	sadd.s32 s3, s5;
	[dreg:$0x0] =	wrdreg $0x0  }
0x2f: {  	s5 =	sshll.u32 s28, $0x1;
	[dreg:$0x2] =	wrdreg s3  }
0x30: {  	[dreg:$0x3] =	wrdreg s5  }
0x31: {  	[dreg:$0x4] =	wrdreg $0xC0  }
0x32: {  	_ =	task [dreg:s23], $0x5FFFF  }
0x33: {  	[dreg:$0x1] =	wrdreg $0xFFFFFFFF  }
0x34: {  	[dreg:$0x0] =	wrdreg $0x60  }
0x35: {  	[dreg:$0x2] =	wrdreg s25  }
0x36: {  	[dreg:$0x3] =	wrdreg $0x9  }
0x37: {  	_ =	task.clear_ibuf [dreg:s23], $0x4FFFF;
	_ =	strace $0x90000049  }
0x38: {  	s29 =	simm.s32 $0x9;
	_ =	strace $0x8000004B  }
0x39: {  	_ =	swait.ge [sflag:s29], $0x1  }
0x3a: {  	[sflag:s29] =	ssyncadd.s32 $0xFFFFFFFF  }
0x3b: {  	_ =	strace $0x9000004B  }
0x3c: {  	_ =	sfence  }
0x3d: {  	s30 =	sld [smem:$0x0];
	_ =	sdelay $0x2  }
0x3e: {  	s31 =	sshll.u32 s1, $0xD;
	s1 =	sshrl.u32 s1, $0x2  }
0x3f: {  	s4 =	sand.u32 $0x4000, s31;
	s1 =	sadd.s32 s1, s30  }
0x40: {  	s0 =	sor.u32 s4, s0;
	s1 =	sshll.u32 s1, $0x11  }
0x41: {  	s0 =	sor.u32 s1, s0  }
0x42: {  	s0 =	sadd.s32 $0x8F2B, s0  }
0x43: {  	[sflag:s0] =	ssyncadd.remote.s32 $0x1  }
0x44: {  	_ =	sfence.sel $0xFFFF  }
0x45: {  	[dreg:$0x0] =	wrdreg $0xFFFFFFFF;
	(pc) =	sbr.abs _section_cstart, $3  }
0x46: {  	[dreg:$0x1] =	wrdreg $0xFFFFFFFF  }
0x47: {  	_ =	task.clear_ibuf [dreg:s23], $0x2FFFF;
	_ =	strace $0x9FFFFFFF  }
0x48: {  	(tm) =	ssettm $0x7FFFFFFF  }
0x49: {  	_ =	shalt  }
tec
execute0_lowered:
.L_overlay_start_1:
0x0: {  	(tag) =	ssettag $0x1  }
0x1: {  	s0 =	srdreg.scid  }
0x2: {  	s1 =	sshll.u32 s0, $0x4  }
0x3: {  	s0 =	stileid.u32;
	s1 =	sand.u32 $0x10, s1  }
0x4: {  	s5 =	rddreg [dreg:$0x0];
	s3 =	sor.u32 s0, s1  }
0x5: {  	s6 =	simm.s32 $0x1;
	s7 =	simm.s32 $0x2;
	s2 =	sshll.u32 s3, $0x3  }
0x6: {  	s12 =	simm.s32 $0x0;
	s8 =	simm.s32 $0x400;
	s4 =	ssub.s32 $0x100, s2  }
0x7: {  	s9 =	simm.s32 $0x8000;
	s13 =	simm.s32 $0x0;
	s30 =	sand.u32 $0xF8, s4  }
0x8: {  	s10 =	simm.s32 $0x0;
	s1 =	rddreg [dreg:$0x1];
	p0 =	sne.s32 s30, $0x0  }
.Ltmp0:
0x9: {  	s4 =	sshrl.u32 s4, $0x8;
	s6 =	simm.s32 @!p0 $0x0;
	(pc) =	sbr.rel .LBB1_1-.Ltmp0, $4  }
0xa: {  	_ =	strace $0x8000004A;
	s3 =	sshll.u32 s3, $0xB;
	s4 =	sadd.s32 s6, s4  }
0xb: {  	s31 =	sadd.s32 s3, s5;
	s3 =	simm.s32 $0x1;
	s4 =	smul.u32 $0x14, s4  }
0xc: {  	s11 =	simm.s32 $0x0;
	s5 =	sadd.s32 $0x141800, s5;
	[sflag:s3] =	ssyncpa.u1 $0x0  }
0xd: {  	[sflag:s7] =	ssyncpa.u1 $0x0;
	s6 =	sadd.s32 $0x1800, s31;
	s7 =	sor.u32 $0x1, s4  }
.LBB1_9:
0xe: {  	s14 =	sadd.s32 $0x1, s10  }
0xf: {  	p1 =	sgt.s32 s14, $0x13  }
0x10: {  	s14 =	simm.s32 @p1 $0x0;
	p1 =	sne.s32 s11, s7  }
.Ltmp1:
0x11: {  	p0 =	slt.u32 s11, $0x2;
	(pc) =	sbr.rel @!p1 .LBB1_10-.Ltmp1, $4  }
0x12: {  	s12 =	simm.s32 @!p0 $0x2  }
0x13: {  	s15 =	sadd.s32 $0x1, s11;
	_ =	swait.ge @!p0 [sflag:s12], $0x4000  }
0x14: {  	s13 =	smov.u32 s10;
	s11 =	smov.u32 s15;
	[sflag:s12] =	ssyncset.done @!p0 $0x0  }
0x15: {  	s10 =	smov.u32 s14;
	[sflag:s12] =	ssyncadd.s32 @!p0 $0xFFFFC000;
	s12 =	smov.u32 s2  }
.LBB1_1:
0x16: {  	p0 =	sge.u32 s11, s4  }
0x17: {  	s14 =	sxor.u32 @!p0 $0xFFFFFFFF, s11  }
0x18: {  	s31 =	sadd.s32 $0xFFFFFFFF, s11;
	s15 =	sshll.u32 @!p0 s10, $0x10;
	s14 =	sshll.u32 @!p0 s14, $0xE  }
0x19: {  	s16 =	simm.s32 @!p0 $0x0;
	s15 =	sadd.s32 @!p0 s15, s6;
	s14 =	sand.u32 @!p0 $0x4000, s14  }
0x1a: {  	[tilespmem:s14], [sflag:$0x1] =	stream.linear.gather @!p0 [hbm4b:s15+s16], $0x4000, $0x38;
	[tilespmem:$0x10000] =	vst v63  }
0x1b: {  	p0 =	sge.u32 s31, s4  }
.Ltmp2:
0x1c: {  	_ = 	snop;
	(pc) =	sbr.rel @p0 .LBB1_9-.Ltmp2, $1  }
0x1d: {  	_ =	sdelay $0x3  }
0x1e: {  	_ =	swait.ge [sflag:s3], $0x4000;
	s14 =	sshll.u32 s11, $0xE  }
0x1f: {  	[sflag:s3] =	ssyncset.done $0x0;
	s15 =	sand.u32 $0x4000, s14  }
0x20: {  	s16 =	simm.s32 $0x0;
	[sflag:s3] =	ssyncadd.s32 $0xFFFFC000;
	s14 =	sor.u32 $0x8000, s15  }
.LBB1_3:
0x21: {  	s17 =	sshll.u32 s16, $0xB  }
0x22: {  	s17 =	sand.u32 $0x3FFFF800, s17  }
0x23: {  	s18 =	sadd.s32 s17, s15  }
0x24: {  	s19 =	sadd.s32 $0x800, s18;
	v0 =	vmov s18  }
0x25: {  	v1 =	vmov s19  }
0x26: {  	s17 =	sshll.u32 s16, $0x7;
	s18 =	simm.s32 $0x0  }
.LBB1_4:
0x27: {  	s19 =	sshll.u32 s18, $0xA  }
0x28: {  	s19 =	sand.u32 $0x3FFFFC00, s19  }
0x29: {  	s20 =	sshll.u32 s18, $0x8;
	s21 =	sshll.u32 s18, $0x7;
	s22 =	sadd.s32 s19, s14  }
0x2a: {  	s29 =	sand.u32 $0x800, s20;
	s30 =	sand.u32 $0x300, s21;
	s31 =	sadd.s32 $0x400, s22  }
0x2b: {  	p0 =	por $0x1, $0x1;
	s20 =	simm.s32 $0x0;
	s19 =	sor.u32 s30, s29;
	v2 =	vmov s22;
	v3 =	vmov s31  }
.LBB1_5:
0x2c: {  	s21 =	sor.u32 s20, s19  }
0x2d: {  	s21 =	sshrl.u32 s21, $0x1  }
0x2e: {  	v4 =	vld.idx.msk [tilespmem:v0+s21+$0x0 ss:$0x1], $0xffff  }
0x2f: {  	v5 =	vld.idx.msk [tilespmem:v1+s21+$0x0 ss:$0x1], $0xffff  }
0x30: {  	v6 =	vld.idx.msk [tilespmem:v0+s21+$0x10 ss:$0x1], $0xffff  }
0x31: {  	v7 =	vld.idx.msk [tilespmem:v1+s21+$0x10 ss:$0x1], $0xffff  }
0x32: {  	v8 =	vld.idx.msk [tilespmem:v0+s21+$0x20 ss:$0x1], $0xffff  }
0x33: {  	v9 =	vld.idx.msk [tilespmem:v1+s21+$0x20 ss:$0x1], $0xffff  }
0x34: {  	s31 =	sadd.s32 s17, s20;
	v12 =	vld.idx.msk [tilespmem:v0+s21+$0x30 ss:$0x1], $0xffff;
	v10 =	vunpack.i.l.s16.s32 v4;
	v11 =	vunpack.i.l.s16.s32 v5  }
0x35: {  	s20 =	sshra.s32 s31, $0x1;
	v45 =	vld.idx.msk [tilespmem:v1+s21+$0x30 ss:$0x1], $0xffff;
	v4 =	vunpack.i.u.s16.s32 v4;
	v5 =	vunpack.i.u.s16.s32 v5;
	v10 =	vpack.i.b32.b16 v11, v10  }
0x36: {  	v13 =	vld.idx.msk [tilespmem:v0+s21+$0x40 ss:$0x1], $0xffff;
	v46 =	vunpack.i.l.s16.s32 v7;
	v4 =	vpack.i.b32.b16 v5, v4;
	v5 =	vunpack.i.l.s16.s32 v6;
	[tilespmem:v2+s20+$0x0 ss:$0x1] =	vst.idx.msk $0xffff, v10  }
0x37: {  	v48 =	vld.idx.msk [tilespmem:v1+s21+$0x40 ss:$0x1], $0xffff;
	v47 =	vunpack.i.u.s16.s32 v7;
	v5 =	vpack.i.b32.b16 v46, v5;
	[tilespmem:v3+s20+$0x0 ss:$0x1] =	vst.idx.msk $0xffff, v4;
	v4 =	vunpack.i.u.s16.s32 v6  }
0x38: {  	v50 =	vld.idx.msk [tilespmem:v0+s21+$0x50 ss:$0x1], $0xffff;
	v49 =	vunpack.i.l.s16.s32 v9;
	[tilespmem:v2+s20+$0x10 ss:$0x1] =	vst.idx.msk $0xffff, v5;
	v5 =	vunpack.i.l.s16.s32 v8;
	v4 =	vpack.i.b32.b16 v47, v4  }
0x39: {  	v52 =	vld.idx.msk [tilespmem:v1+s21+$0x50 ss:$0x1], $0xffff;
	v51 =	vunpack.i.u.s16.s32 v9;
	v5 =	vpack.i.b32.b16 v49, v5;
	[tilespmem:v3+s20+$0x10 ss:$0x1] =	vst.idx.msk $0xffff, v4;
	v4 =	vunpack.i.u.s16.s32 v8  }
0x3a: {  	v54 =	vld.idx.msk [tilespmem:v0+s21+$0x60 ss:$0x1], $0xffff;
	v53 =	vunpack.i.l.s16.s32 v45;
	[tilespmem:v2+s20+$0x20 ss:$0x1] =	vst.idx.msk $0xffff, v5;
	v5 =	vunpack.i.l.s16.s32 v12;
	v4 =	vpack.i.b32.b16 v51, v4  }
0x3b: {  	v55 =	vld.idx.msk [tilespmem:v1+s21+$0x60 ss:$0x1], $0xffff;
	v11 =	vunpack.i.u.s16.s32 v45;
	v5 =	vpack.i.b32.b16 v53, v5;
	[tilespmem:v3+s20+$0x20 ss:$0x1] =	vst.idx.msk $0xffff, v4;
	v4 =	vunpack.i.u.s16.s32 v12  }
0x3c: {  	v57 =	vld.idx.msk [tilespmem:v0+s21+$0x70 ss:$0x1], $0xffff;
	v56 =	vunpack.i.l.s16.s32 v48;
	[tilespmem:v2+s20+$0x30 ss:$0x1] =	vst.idx.msk $0xffff, v5;
	v5 =	vunpack.i.l.s16.s32 v13;
	v4 =	vpack.i.b32.b16 v11, v4  }
0x3d: {  	v58 =	vld.idx.msk [tilespmem:v1+s21+$0x70 ss:$0x1], $0xffff;
	v7 =	vunpack.i.u.s16.s32 v48;
	v5 =	vpack.i.b32.b16 v56, v5;
	[tilespmem:v3+s20+$0x30 ss:$0x1] =	vst.idx.msk $0xffff, v4;
	v4 =	vunpack.i.u.s16.s32 v13  }
0x3e: {  	v59 =	vunpack.i.l.s16.s32 v52;
	[tilespmem:v2+s20+$0x40 ss:$0x1] =	vst.idx.msk $0xffff, v5;
	v5 =	vunpack.i.l.s16.s32 v50;
	v4 =	vpack.i.b32.b16 v7, v4  }
0x3f: {  	v6 =	vunpack.i.u.s16.s32 v52;
	[tilespmem:v3+s20+$0x40 ss:$0x1] =	vst.idx.msk $0xffff, v4;
	v4 =	vpack.i.b32.b16 v59, v5;
	v5 =	vunpack.i.u.s16.s32 v50  }
0x40: {  	p1 =	por p0, p0;
	v60 =	vunpack.i.l.s16.s32 v55;
	[tilespmem:v2+s20+$0x50 ss:$0x1] =	vst.idx.msk $0xffff, v4;
	v4 =	vpack.i.b32.b16 v6, v5;
	v5 =	vunpack.i.l.s16.s32 v54  }
.Ltmp3:
0x41: {  	v61 =	vunpack.i.u.s16.s32 v55;
	[tilespmem:v3+s20+$0x50 ss:$0x1] =	vst.idx.msk $0xffff, v4;
	v4 =	vpack.i.b32.b16 v60, v5;
	v5 =	vunpack.i.u.s16.s32 v54;
	(pc) =	sbr.rel @p1 .LBB1_5-.Ltmp3, $4  }
0x42: {  	v62 =	vunpack.i.l.s16.s32 v58;
	[tilespmem:v2+s20+$0x60 ss:$0x1] =	vst.idx.msk $0xffff, v4;
	v4 =	vpack.i.b32.b16 v61, v5;
	v5 =	vunpack.i.l.s16.s32 v57  }
0x43: {  	v63 =	vunpack.i.u.s16.s32 v58;
	[tilespmem:v3+s20+$0x60 ss:$0x1] =	vst.idx.msk $0xffff, v4;
	v4 =	vunpack.i.u.s16.s32 v57;
	v5 =	vpack.i.b32.b16 v62, v5  }
0x44: {  	[tilespmem:v2+s20+$0x70 ss:$0x1] =	vst.idx.msk $0xffff, v5;
	v4 =	vpack.i.b32.b16 v63, v4  }
0x45: {  	p0 =	por $0x0, $0x0;
	[tilespmem:v3+s20+$0x70 ss:$0x1] =	vst.idx.msk $0xffff, v4;
	s20 =	simm.s32 $0x400  }
0x46: {  	p0 =	slt.u32 s18, $0xE  }
.Ltmp4:
0x47: {  	_ = 	snop;
	(pc) =	sbr.rel @p0 .LBB1_4-.Ltmp4, $3  }
0x48: {  	_ =	sdelay $0x1  }
0x49: {  	s19 =	sadd.s32 $0x2, s18  }
0x4a: {  	s18 =	smov.u32 s19  }
0x4b: {  	p0 =	slt.u32 s16, $0x6  }
.Ltmp5:
0x4c: {  	_ = 	snop;
	(pc) =	sbr.rel @p0 .LBB1_3-.Ltmp5, $3  }
0x4d: {  	_ =	sdelay $0x1  }
0x4e: {  	s17 =	sadd.s32 $0x2, s16  }
0x4f: {  	s16 =	smov.u32 s17  }
.Ltmp6:
0x50: {  	(pc) =	sbr.rel .LBB1_9-.Ltmp6, $4  }
0x51: {  	s12 =	sshll.u32 s12, $0x4;
	s13 =	sshll.u32 s13, $0x10  }
0x52: {  	s12 =	sand.u32 $0xF80, s12;
	s13 =	sadd.s32 s5, s13  }
0x53: {  	s12 =	sadd.s32 s12, s13  }
0x54: {  	[hbm4b:s12+s8] =	stream.strided.scatter [tilespmem:s14], [sflag:$0x2], $0x4000, s9, s8, $0x38;
	[tilespmem:$0x10000] =	vst v63  }
.LBB1_10:
0x55: {  	_ =	sfence.sel $0x180000  }
0x56: {  	s2 =	simm.s32 $0x1;
	[bflag:$0x0] =	sbarrier.arrive $0xFFFF  }
0x57: {  	s31 =	simm.s32 $0x2;
	[sflag:s2] =	ssyncpa.u1 $0x1  }
0x58: {  	[sflag:s31] =	ssyncpa.u1 $0x1  }
0x59: {  	p0 =	sne.s32 s0, $0x0;
	_ =	strace $0x9000004A  }
0x5a: {  	s0 =	sadd.s32 @!p0 $0x100000, s1;
	[bflag:$0x2] =	sbarrier.arrive $0xFFFF  }
0x5b: {  	[sflag:s0] =	ssyncadd.tile.s32 @!p0 $0x1;
	_ =	shalt  }
.Lfunc_end1:
_tile_overlayer_lowered:
.L_overlay_start_2:
0x5c: {  	(tag) =	ssettag $0x2  }
0x5d: {  	s0 =	rddreg [dreg:$0x0];
	s2 =	stileid.u32  }
0x5e: {  	s1 =	rddreg [dreg:$0x1];
	p0 =	sne.s32 s2, $0x0  }
0x5f: {  	s3 =	rddreg [dreg:$0x2];
	[bflag:$0x3] =	sbarrier.arrive $0xFFFF;
	s2 =	simm.s32 @!p0 $0x1C01  }
0x60: {  	[timem:s3], [sflag:s2] =	dma.local @!p0 [hbm:s0], s1  }
0x61: {  	s0 =	simm.s32 @!p0 $0x1  }
0x62: {  	_ =	swait.ge @!p0 [sflag:s0], s1  }
0x63: {  	s1 =	ssub.s32 @!p0 $0x0, s1;
	[sflag:s0] =	ssyncset.done @!p0 $0x0  }
0x64: {  	[sflag:s0] =	ssyncadd.s32 @!p0 s1  }
0x65: {  	[bflag:$0x3] =	sbarrier.arrive $0xFFFF  }
0x66: {  	_ =	shalt  }

</sc_bundles>
